<compile_context>
chip_gen: v7x
topology: tpu7x:2x2x1
jax: 0.10.2.dev20260603
libtpu: 0.0.44.dev20260713+nightly
codegen_flags: <defaults>
</compile_context>

<pallas_src>
import jax
import jax.numpy as jnp
from jax import lax
from jax.experimental import pallas as pl
from jax.experimental.pallas import tpu as pltpu
from jax.experimental.pallas import tpu_sc as plsc

KWTA_K = 256
ROWS = 64
COLS = 8192
NUM_CORES = 2
NUM_SUBCORES = 16
NUM_WORKERS = NUM_CORES * NUM_SUBCORES
ROWS_PER_W = ROWS // NUM_WORKERS
LANES = 16
NVREG = COLS // LANES
UNROLL = 8
HI_BITS = 11
LO_BITS = 32 - HI_BITS
LO_STATIC = 32

_popcount = plsc.all_reduce_population_count


def _key_to_f32(k):
    low31 = jnp.full((LANES,), 0x7FFFFFFF, jnp.int32)
    bits = k ^ (lax.shift_right_arithmetic(k, 31) & low31)
    return lax.bitcast_convert_type(bits, jnp.float32)


def _kwta_body(in_hbm, out_hbm, x_v, srv0_v, srv1_v, out_v):
    wid = lax.axis_index("s") * NUM_CORES + lax.axis_index("c")
    base = wid * ROWS_PER_W
    pltpu.sync_copy(in_hbm.at[pl.ds(base, ROWS_PER_W)], x_v)

    ones = jnp.ones((LANES,), jnp.int32)
    zeros_i = jnp.zeros((LANES,), jnp.int32)
    zeros_f = jnp.zeros((LANES,), jnp.float32)
    k_vec = jnp.full((LANES,), KWTA_K, jnp.int32)
    int_min = jnp.full((LANES,), -2**31, jnp.int32)
    neg_inf = jnp.full((LANES,), -jnp.inf, jnp.float32)
    R = ROWS_PER_W
    srv_refs = (srv0_v, srv1_v)

    def bit_body(b, prefixes):
        bit_vec = lax.shift_left(ones, jnp.full((LANES,), 31 - b, jnp.int32))
        cands = tuple(p + bit_vec for p in prefixes)
        cands_f = tuple(_key_to_f32(c) for c in cands)

        def cnt_body(i, accs):
            accs = list(accs)
            for j in range(UNROLL):
                sl = pl.ds((i * UNROLL + j) * LANES, LANES)
                for r in range(R):
                    accs[r] = accs[r] + _popcount(x_v[r, sl] >= cands_f[r])
            return tuple(accs)

        accs = lax.fori_loop(0, NVREG // UNROLL, cnt_body, (zeros_i,) * R)
        return tuple(
            jnp.where(acc >= k_vec, cand, p)
            for acc, cand, p in zip(accs, cands, prefixes))

    prefixes = lax.fori_loop(0, HI_BITS, bit_body, (int_min,) * R)

    for v in range(LO_STATIC + 2):
        sl = pl.ds(v * LANES, LANES)
        srv0_v[sl] = neg_inf
        srv1_v[sl] = neg_inf

    cuts_f = tuple(_key_to_f32(p + ones) for p in prefixes)

    def cmp_body(i, offs):
        offs = list(offs)
        for j in range(8):
            sl = pl.ds((i * 8 + j) * LANES, LANES)
            for r in range(R):
                xv = x_v[r, sl]
                m = xv >= cuts_f[r]
                incl = plsc.cumsum(ones, mask=m)
                plsc.store_scatter(
                    srv_refs[r], [offs[r] + incl - ones], xv, mask=m)
                offs[r] = offs[r] + _popcount(m)
        return tuple(offs)

    offs = lax.fori_loop(0, NVREG // 8, cmp_body, (zeros_i,) * R)

    thrs = []
    for r in range(R):
        srv_r = srv_refs[r]
        n = offs[r][0]
        srv_r[pl.ds(n, LANES)] = neg_inf
        srv_r[pl.ds(n + LANES, LANES)] = neg_inf
        nv = jnp.maximum((n + LANES - 1) // LANES, LO_STATIC)

        def lo_body(b, prefix):
            bit_vec = lax.shift_left(
                ones, jnp.full((LANES,), LO_BITS - 1 - b, jnp.int32))
            cand = prefix + bit_vec
            cand_f = _key_to_f32(cand)

            acc = zeros_i
            for v in range(LO_STATIC):
                acc = acc + _popcount(srv_r[pl.ds(v * LANES, LANES)] >= cand_f)

            def tail_body(i, acc):
                return acc + _popcount(srv_r[pl.ds(i * LANES, LANES)] >= cand_f)

            acc = lax.fori_loop(LO_STATIC, nv, tail_body, acc)
            return jnp.where(acc >= k_vec, cand, prefix)

        thr = lax.fori_loop(0, LO_BITS, lo_body, prefixes[r])
        thrs.append(_key_to_f32(thr))

    def mask_body(i, carry):
        for j in range(UNROLL):
            sl = pl.ds((i * UNROLL + j) * LANES, LANES)
            for r in range(R):
                xv = x_v[r, sl]
                out_v[r, sl] = jnp.where(xv >= thrs[r], xv, zeros_f)
        return carry

    lax.fori_loop(0, NVREG // UNROLL, mask_body, jnp.int32(0))

    pltpu.sync_copy(out_v, out_hbm.at[pl.ds(base, ROWS_PER_W)])


def kernel(inputs):
    mesh = plsc.VectorSubcoreMesh(core_axis_name="c", subcore_axis_name="s")
    fn = pl.kernel(
        _kwta_body,
        mesh=mesh,
        out_type=jax.ShapeDtypeStruct((ROWS, COLS), jnp.float32),
        scratch_types=[
            pltpu.VMEM((ROWS_PER_W, COLS), jnp.float32),
            pltpu.VMEM((COLS + 2 * LANES,), jnp.float32),
            pltpu.VMEM((COLS + 2 * LANES,), jnp.float32),
            pltpu.VMEM((ROWS_PER_W, COLS), jnp.float32),
        ],
        compiler_params=pltpu.CompilerParams(needs_layout_passes=False),
    )
    return fn(inputs)

# --- scband reference (transcript-rebuilt; emitter-appended) ---
"""Pipeline reference for scband-k-wta-layer-24850680774662 (READ-ONLY COPY).

The authoritative reference and input builder live on the scoring server;
editing this copy changes nothing except your own understanding.
"""

import jax, jax.numpy as jnp
import numpy as np

K = 256

def setup_inputs(seed: int = 0) -> dict:
    key = jax.random.key(seed)
    inputs = jax.random.normal(key, (64, 8192), dtype=jnp.float32)
    return {"inputs": inputs}

def reference(inputs):
    # kWTA: keep only the top-k activations per row, zero the rest.
    topk_vals, _ = jax.lax.top_k(inputs, K)
    threshold = topk_vals[:, -1]
    out = jnp.where(inputs < threshold[:, None], jnp.zeros_like(inputs), inputs)
    return out

if __name__ == "__main__":
    import jax
    _d = setup_inputs()
    print(jax.jit(kernel)(*tuple(_d.values())))

</pallas_src>

<mosaic_0001>
#map = affine_map<(d0, d1) -> (0, 0)>
module attributes {stable_mosaic.version = 14 : i64} {
  func.func @_kwta_body(%arg0: i32, %arg1: i32, %arg2: memref<64x8192xf32, #tpu.memory_space<hbm>>, %arg3: memref<64x8192xf32, #tpu.memory_space<hbm>>, %arg4: memref<2x8192xf32, #tpu.memory_space<vmem>>, %arg5: memref<8224xf32, #tpu.memory_space<vmem>>, %arg6: memref<8224xf32, #tpu.memory_space<vmem>>, %arg7: memref<2x8192xf32, #tpu.memory_space<vmem>>) attributes {dimension_semantics = [#tpu.dimension_semantics<core_parallel>, #tpu.dimension_semantics<subcore_parallel>], iteration_bounds = array<i64: 2, 16>, scalar_prefetch = 0 : i64, scratch_operands = 4 : i64, tpu.core_type = #tpu.core_type<sc_vector_subcore>, window_params = [{transform_indices = #map}, {transform_indices = #map}]} {
    %mul3A = arith.constant 2 : i32
    %mul3A_0 = arith.muli %arg1, %mul3A : i32
    %add3A = arith.addi %mul3A_0, %arg0 : i32
    %mul3A_1 = arith.constant 2 : i32
    %mul3A_2 = arith.muli %add3A, %mul3A_1 : i32
    "tpu.region"() ({
      %run_scoped3A = tpu.sem_alloc : memref<!tpu.dma_semaphore, #tpu.memory_space<semaphore_mem>>
      %dma_start3A = arith.constant 0 : i32
      %dma_start3A_274 = tpu.memref_slice %arg2[%mul3A_2, %dma_start3A] : memref<64x8192xf32, #tpu.memory_space<hbm>> -> memref<2x8192xf32, #tpu.memory_space<hbm>>
      %dma_start3A_275 = arith.constant 0 : i32
      %dma_start3A_276 = tpu.memref_slice %arg2[%mul3A_2, %dma_start3A_275] : memref<64x8192xf32, #tpu.memory_space<hbm>> -> memref<2x8192xf32, #tpu.memory_space<hbm>>
      tpu.enqueue_dma source(%dma_start3A_276 : memref<2x8192xf32, #tpu.memory_space<hbm>>) target(%arg4 : memref<2x8192xf32, #tpu.memory_space<vmem>>) target_semaphore(%run_scoped3A : memref<!tpu.dma_semaphore, #tpu.memory_space<semaphore_mem>>)
      %dma_wait3A = arith.constant 0 : i32
      %dma_wait3A_277 = tpu.memref_slice %arg2[%mul3A_2, %dma_wait3A] : memref<64x8192xf32, #tpu.memory_space<hbm>> -> memref<2x8192xf32, #tpu.memory_space<hbm>>
      %dma_wait3A_278 = arith.constant 0 : i32
      %dma_wait3A_279 = tpu.memref_slice %arg2[%mul3A_2, %dma_wait3A_278] : memref<64x8192xf32, #tpu.memory_space<hbm>> -> memref<2x8192xf32, #tpu.memory_space<hbm>>
      tpu.wait_dma2 semaphore(%run_scoped3A : memref<!tpu.dma_semaphore, #tpu.memory_space<semaphore_mem>>) src(%dma_wait3A_279 : memref<2x8192xf32, #tpu.memory_space<hbm>>) dst(%arg4 : memref<2x8192xf32, #tpu.memory_space<vmem>>)
      tpu.yield
    }) : () -> ()
    %broadcast_in_dim3A = arith.constant 1 : i32
    %broadcast_in_dim3A_3 = vector.broadcast %broadcast_in_dim3A : i32 to vector<16xi32>
    %broadcast_in_dim3A_4 = arith.constant 0 : i32
    %broadcast_in_dim3A_5 = vector.broadcast %broadcast_in_dim3A_4 : i32 to vector<16xi32>
    %broadcast_in_dim3A_6 = arith.constant 0.000000e+00 : f32
    %broadcast_in_dim3A_7 = vector.broadcast %broadcast_in_dim3A_6 : f32 to vector<16xf32>
    %broadcast_in_dim3A_8 = arith.constant 256 : i32
    %broadcast_in_dim3A_9 = vector.broadcast %broadcast_in_dim3A_8 : i32 to vector<16xi32>
    %broadcast_in_dim3A_10 = arith.constant -2147483648 : i32
    %broadcast_in_dim3A_11 = vector.broadcast %broadcast_in_dim3A_10 : i32 to vector<16xi32>
    %broadcast_in_dim3A_12 = arith.constant 0xFF800000 : f32
    %broadcast_in_dim3A_13 = vector.broadcast %broadcast_in_dim3A_12 : f32 to vector<16xf32>
    %scan3A = arith.constant 0 : i32
    %scan3A_14 = arith.constant 11 : i32
    %scan3A_15 = arith.addi %scan3A, %scan3A_14 : i32
    %scan3A_16 = arith.constant 1 : i32
    %scan3A_17:2 = scf.for %scan3A_274 = %scan3A to %scan3A_15 step %scan3A_16 iter_args(%scan3A_275 = %broadcast_in_dim3A_11, %scan3A_276 = %broadcast_in_dim3A_11) -> (vector<16xi32>, vector<16xi32>)  : i32 {
      %sub3A_277 = arith.constant 31 : i32
      %sub3A_278 = arith.subi %sub3A_277, %scan3A_274 : i32
      %broadcast_in_dim3A_279 = vector.broadcast %sub3A_278 : i32 to vector<16xi32>
      %shift_left3A = arith.shli %broadcast_in_dim3A_3, %broadcast_in_dim3A_279 : vector<16xi32>
      %add3A_280 = arith.addi %scan3A_275, %shift_left3A : vector<16xi32>
      %add3A_281 = arith.addi %scan3A_276, %shift_left3A : vector<16xi32>
      %broadcast_in_dim3A_282 = arith.constant 2147483647 : i32
      %broadcast_in_dim3A_283 = vector.broadcast %broadcast_in_dim3A_282 : i32 to vector<16xi32>
      %shift_right_arithmetic3A_284 = arith.constant 31 : i32
      %shift_right_arithmetic3A_285 = vector.broadcast %shift_right_arithmetic3A_284 : i32 to vector<16xi32>
      %shift_right_arithmetic3A_286 = arith.shrsi %add3A_280, %shift_right_arithmetic3A_285 : vector<16xi32>
      %and3A_287 = arith.andi %shift_right_arithmetic3A_286, %broadcast_in_dim3A_283 : vector<16xi32>
      %xor3A_288 = arith.xori %add3A_280, %and3A_287 : vector<16xi32>
      %bitcast_convert_type3A_289 = tpu.bitcast %xor3A_288 : vector<16xi32> -> vector<16xf32>
      %broadcast_in_dim3A_290 = arith.constant 2147483647 : i32
      %broadcast_in_dim3A_291 = vector.broadcast %broadcast_in_dim3A_290 : i32 to vector<16xi32>
      %shift_right_arithmetic3A_292 = arith.constant 31 : i32
      %shift_right_arithmetic3A_293 = vector.broadcast %shift_right_arithmetic3A_292 : i32 to vector<16xi32>
      %shift_right_arithmetic3A_294 = arith.shrsi %add3A_281, %shift_right_arithmetic3A_293 : vector<16xi32>
      %and3A_295 = arith.andi %shift_right_arithmetic3A_294, %broadcast_in_dim3A_291 : vector<16xi32>
      %xor3A_296 = arith.xori %add3A_281, %and3A_295 : vector<16xi32>
      %bitcast_convert_type3A_297 = tpu.bitcast %xor3A_296 : vector<16xi32> -> vector<16xf32>
      %scan3A_298 = arith.constant 0 : i32
      %scan3A_299 = arith.constant 64 : i32
      %scan3A_300 = arith.addi %scan3A_298, %scan3A_299 : i32
      %scan3A_301 = arith.constant 1 : i32
      %scan3A_302:2 = scf.for %scan3A_307 = %scan3A_298 to %scan3A_300 step %scan3A_301 iter_args(%scan3A_308 = %broadcast_in_dim3A_5, %scan3A_309 = %broadcast_in_dim3A_5) -> (vector<16xi32>, vector<16xi32>)  : i32 {
        %mul3A_310 = arith.constant 8 : i32
        %mul3A_311 = arith.muli %scan3A_307, %mul3A_310 : i32
        %add3A_312 = arith.constant 0 : i32
        %add3A_313 = arith.addi %mul3A_311, %add3A_312 : i32
        %mul3A_314 = arith.constant 16 : i32
        %mul3A_315 = arith.muli %add3A_313, %mul3A_314 : i32
        %get3A = arith.constant 0 : i32
        %get3A_316 = arith.index_cast %get3A : i32 to index
        %get3A_317 = arith.index_cast %mul3A_315 : i32 to index
        %get3A_318 = tpu.vector_load %arg4[%get3A_316, %get3A_317] {strides = array<i32>} : memref<2x8192xf32, #tpu.memory_space<vmem>>, vector<16xf32>,
        %ge3A_319 = arith.cmpf oge, %get3A_318, %bitcast_convert_type3A_289 : vector<16xf32>
        %all_reduce_population_count3A = tpu.all_reduce %ge3A_319 {dim = 0 : i64, kind = #tpu.reduction_kind<sum>} : vector<16xi1> -> vector<16xi32>
        %add3A_320 = arith.addi %scan3A_308, %all_reduce_population_count3A : vector<16xi32>
        %get3A_321 = arith.constant 1 : i32
        %get3A_322 = arith.index_cast %get3A_321 : i32 to index
        %get3A_323 = arith.index_cast %mul3A_315 : i32 to index
        %get3A_324 = tpu.vector_load %arg4[%get3A_322, %get3A_323] {strides = array<i32>} : memref<2x8192xf32, #tpu.memory_space<vmem>>, vector<16xf32>,
        %ge3A_325 = arith.cmpf oge, %get3A_324, %bitcast_convert_type3A_297 : vector<16xf32>
        %all_reduce_population_count3A_326 = tpu.all_reduce %ge3A_325 {dim = 0 : i64, kind = #tpu.reduction_kind<sum>} : vector<16xi1> -> vector<16xi32>
        %add3A_327 = arith.addi %scan3A_309, %all_reduce_population_count3A_326 : vector<16xi32>
        %mul3A_328 = arith.constant 8 : i32
        %mul3A_329 = arith.muli %scan3A_307, %mul3A_328 : i32
        %add3A_330 = arith.constant 1 : i32
        %add3A_331 = arith.addi %mul3A_329, %add3A_330 : i32
        %mul3A_332 = arith.constant 16 : i32
        %mul3A_333 = arith.muli %add3A_331, %mul3A_332 : i32
        %get3A_334 = arith.constant 0 : i32
        %get3A_335 = arith.index_cast %get3A_334 : i32 to index
        %get3A_336 = arith.index_cast %mul3A_333 : i32 to index
        %get3A_337 = tpu.vector_load %arg4[%get3A_335, %get3A_336] {strides = array<i32>} : memref<2x8192xf32, #tpu.memory_space<vmem>>, vector<16xf32>,
        %ge3A_338 = arith.cmpf oge, %get3A_337, %bitcast_convert_type3A_289 : vector<16xf32>
        %all_reduce_population_count3A_339 = tpu.all_reduce %ge3A_338 {dim = 0 : i64, kind = #tpu.reduction_kind<sum>} : vector<16xi1> -> vector<16xi32>
        %add3A_340 = arith.addi %add3A_320, %all_reduce_population_count3A_339 : vector<16xi32>
        %get3A_341 = arith.constant 1 : i32
        %get3A_342 = arith.index_cast %get3A_341 : i32 to index
        %get3A_343 = arith.index_cast %mul3A_333 : i32 to index
        %get3A_344 = tpu.vector_load %arg4[%get3A_342, %get3A_343] {strides = array<i32>} : memref<2x8192xf32, #tpu.memory_space<vmem>>, vector<16xf32>,
        %ge3A_345 = arith.cmpf oge, %get3A_344, %bitcast_convert_type3A_297 : vector<16xf32>
        %all_reduce_population_count3A_346 = tpu.all_reduce %ge3A_345 {dim = 0 : i64, kind = #tpu.reduction_kind<sum>} : vector<16xi1> -> vector<16xi32>
        %add3A_347 = arith.addi %add3A_327, %all_reduce_population_count3A_346 : vector<16xi32>
        %mul3A_348 = arith.constant 8 : i32
        %mul3A_349 = arith.muli %scan3A_307, %mul3A_348 : i32
        %add3A_350 = arith.constant 2 : i32
        %add3A_351 = arith.addi %mul3A_349, %add3A_350 : i32
        %mul3A_352 = arith.constant 16 : i32
        %mul3A_353 = arith.muli %add3A_351, %mul3A_352 : i32
        %get3A_354 = arith.constant 0 : i32
        %get3A_355 = arith.index_cast %get3A_354 : i32 to index
        %get3A_356 = arith.index_cast %mul3A_353 : i32 to index
        %get3A_357 = tpu.vector_load %arg4[%get3A_355, %get3A_356] {strides = array<i32>} : memref<2x8192xf32, #tpu.memory_space<vmem>>, vector<16xf32>,
        %ge3A_358 = arith.cmpf oge, %get3A_357, %bitcast_convert_type3A_289 : vector<16xf32>
        %all_reduce_population_count3A_359 = tpu.all_reduce %ge3A_358 {dim = 0 : i64, kind = #tpu.reduction_kind<sum>} : vector<16xi1> -> vector<16xi32>
        %add3A_360 = arith.addi %add3A_340, %all_reduce_population_count3A_359 : vector<16xi32>
        %get3A_361 = arith.constant 1 : i32
        %get3A_362 = arith.index_cast %get3A_361 : i32 to index
        %get3A_363 = arith.index_cast %mul3A_353 : i32 to index
        %get3A_364 = tpu.vector_load %arg4[%get3A_362, %get3A_363] {strides = array<i32>} : memref<2x8192xf32, #tpu.memory_space<vmem>>, vector<16xf32>,
        %ge3A_365 = arith.cmpf oge, %get3A_364, %bitcast_convert_type3A_297 : vector<16xf32>
        %all_reduce_population_count3A_366 = tpu.all_reduce %ge3A_365 {dim = 0 : i64, kind = #tpu.reduction_kind<sum>} : vector<16xi1> -> vector<16xi32>
        %add3A_367 = arith.addi %add3A_347, %all_reduce_population_count3A_366 : vector<16xi32>
        %mul3A_368 = arith.constant 8 : i32
        %mul3A_369 = arith.muli %scan3A_307, %mul3A_368 : i32
        %add3A_370 = arith.constant 3 : i32
        %add3A_371 = arith.addi %mul3A_369, %add3A_370 : i32
        %mul3A_372 = arith.constant 16 : i32
        %mul3A_373 = arith.muli %add3A_371, %mul3A_372 : i32
        %get3A_374 = arith.constant 0 : i32
        %get3A_375 = arith.index_cast %get3A_374 : i32 to index
        %get3A_376 = arith.index_cast %mul3A_373 : i32 to index
        %get3A_377 = tpu.vector_load %arg4[%get3A_375, %get3A_376] {strides = array<i32>} : memref<2x8192xf32, #tpu.memory_space<vmem>>, vector<16xf32>,
        %ge3A_378 = arith.cmpf oge, %get3A_377, %bitcast_convert_type3A_289 : vector<16xf32>
        %all_reduce_population_count3A_379 = tpu.all_reduce %ge3A_378 {dim = 0 : i64, kind = #tpu.reduction_kind<sum>} : vector<16xi1> -> vector<16xi32>
        %add3A_380 = arith.addi %add3A_360, %all_reduce_population_count3A_379 : vector<16xi32>
        %get3A_381 = arith.constant 1 : i32
        %get3A_382 = arith.index_cast %get3A_381 : i32 to index
        %get3A_383 = arith.index_cast %mul3A_373 : i32 to index
        %get3A_384 = tpu.vector_load %arg4[%get3A_382, %get3A_383] {strides = array<i32>} : memref<2x8192xf32, #tpu.memory_space<vmem>>, vector<16xf32>,
        %ge3A_385 = arith.cmpf oge, %get3A_384, %bitcast_convert_type3A_297 : vector<16xf32>
        %all_reduce_population_count3A_386 = tpu.all_reduce %ge3A_385 {dim = 0 : i64, kind = #tpu.reduction_kind<sum>} : vector<16xi1> -> vector<16xi32>
        %add3A_387 = arith.addi %add3A_367, %all_reduce_population_count3A_386 : vector<16xi32>
        %mul3A_388 = arith.constant 8 : i32
        %mul3A_389 = arith.muli %scan3A_307, %mul3A_388 : i32
        %add3A_390 = arith.constant 4 : i32
        %add3A_391 = arith.addi %mul3A_389, %add3A_390 : i32
        %mul3A_392 = arith.constant 16 : i32
        %mul3A_393 = arith.muli %add3A_391, %mul3A_392 : i32
        %get3A_394 = arith.constant 0 : i32
        %get3A_395 = arith.index_cast %get3A_394 : i32 to index
        %get3A_396 = arith.index_cast %mul3A_393 : i32 to index
        %get3A_397 = tpu.vector_load %arg4[%get3A_395, %get3A_396] {strides = array<i32>} : memref<2x8192xf32, #tpu.memory_space<vmem>>, vector<16xf32>,
        %ge3A_398 = arith.cmpf oge, %get3A_397, %bitcast_convert_type3A_289 : vector<16xf32>
        %all_reduce_population_count3A_399 = tpu.all_reduce %ge3A_398 {dim = 0 : i64, kind = #tpu.reduction_kind<sum>} : vector<16xi1> -> vector<16xi32>
        %add3A_400 = arith.addi %add3A_380, %all_reduce_population_count3A_399 : vector<16xi32>
        %get3A_401 = arith.constant 1 : i32
        %get3A_402 = arith.index_cast %get3A_401 : i32 to index
        %get3A_403 = arith.index_cast %mul3A_393 : i32 to index
        %get3A_404 = tpu.vector_load %arg4[%get3A_402, %get3A_403] {strides = array<i32>} : memref<2x8192xf32, #tpu.memory_space<vmem>>, vector<16xf32>,
        %ge3A_405 = arith.cmpf oge, %get3A_404, %bitcast_convert_type3A_297 : vector<16xf32>
        %all_reduce_population_count3A_406 = tpu.all_reduce %ge3A_405 {dim = 0 : i64, kind = #tpu.reduction_kind<sum>} : vector<16xi1> -> vector<16xi32>
        %add3A_407 = arith.addi %add3A_387, %all_reduce_population_count3A_406 : vector<16xi32>
        %mul3A_408 = arith.constant 8 : i32
        %mul3A_409 = arith.muli %scan3A_307, %mul3A_408 : i32
        %add3A_410 = arith.constant 5 : i32
        %add3A_411 = arith.addi %mul3A_409, %add3A_410 : i32
        %mul3A_412 = arith.constant 16 : i32
        %mul3A_413 = arith.muli %add3A_411, %mul3A_412 : i32
        %get3A_414 = arith.constant 0 : i32
        %get3A_415 = arith.index_cast %get3A_414 : i32 to index
        %get3A_416 = arith.index_cast %mul3A_413 : i32 to index
        %get3A_417 = tpu.vector_load %arg4[%get3A_415, %get3A_416] {strides = array<i32>} : memref<2x8192xf32, #tpu.memory_space<vmem>>, vector<16xf32>,
        %ge3A_418 = arith.cmpf oge, %get3A_417, %bitcast_convert_type3A_289 : vector<16xf32>
        %all_reduce_population_count3A_419 = tpu.all_reduce %ge3A_418 {dim = 0 : i64, kind = #tpu.reduction_kind<sum>} : vector<16xi1> -> vector<16xi32>
        %add3A_420 = arith.addi %add3A_400, %all_reduce_population_count3A_419 : vector<16xi32>
        %get3A_421 = arith.constant 1 : i32
        %get3A_422 = arith.index_cast %get3A_421 : i32 to index
        %get3A_423 = arith.index_cast %mul3A_413 : i32 to index
        %get3A_424 = tpu.vector_load %arg4[%get3A_422, %get3A_423] {strides = array<i32>} : memref<2x8192xf32, #tpu.memory_space<vmem>>, vector<16xf32>,
        %ge3A_425 = arith.cmpf oge, %get3A_424, %bitcast_convert_type3A_297 : vector<16xf32>
        %all_reduce_population_count3A_426 = tpu.all_reduce %ge3A_425 {dim = 0 : i64, kind = #tpu.reduction_kind<sum>} : vector<16xi1> -> vector<16xi32>
        %add3A_427 = arith.addi %add3A_407, %all_reduce_population_count3A_426 : vector<16xi32>
        %mul3A_428 = arith.constant 8 : i32
        %mul3A_429 = arith.muli %scan3A_307, %mul3A_428 : i32
        %add3A_430 = arith.constant 6 : i32
        %add3A_431 = arith.addi %mul3A_429, %add3A_430 : i32
        %mul3A_432 = arith.constant 16 : i32
        %mul3A_433 = arith.muli %add3A_431, %mul3A_432 : i32
        %get3A_434 = arith.constant 0 : i32
        %get3A_435 = arith.index_cast %get3A_434 : i32 to index
        %get3A_436 = arith.index_cast %mul3A_433 : i32 to index
        %get3A_437 = tpu.vector_load %arg4[%get3A_435, %get3A_436] {strides = array<i32>} : memref<2x8192xf32, #tpu.memory_space<vmem>>, vector<16xf32>,
        %ge3A_438 = arith.cmpf oge, %get3A_437, %bitcast_convert_type3A_289 : vector<16xf32>
        %all_reduce_population_count3A_439 = tpu.all_reduce %ge3A_438 {dim = 0 : i64, kind = #tpu.reduction_kind<sum>} : vector<16xi1> -> vector<16xi32>
        %add3A_440 = arith.addi %add3A_420, %all_reduce_population_count3A_439 : vector<16xi32>
        %get3A_441 = arith.constant 1 : i32
        %get3A_442 = arith.index_cast %get3A_441 : i32 to index
        %get3A_443 = arith.index_cast %mul3A_433 : i32 to index
        %get3A_444 = tpu.vector_load %arg4[%get3A_442, %get3A_443] {strides = array<i32>} : memref<2x8192xf32, #tpu.memory_space<vmem>>, vector<16xf32>,
        %ge3A_445 = arith.cmpf oge, %get3A_444, %bitcast_convert_type3A_297 : vector<16xf32>
        %all_reduce_population_count3A_446 = tpu.all_reduce %ge3A_445 {dim = 0 : i64, kind = #tpu.reduction_kind<sum>} : vector<16xi1> -> vector<16xi32>
        %add3A_447 = arith.addi %add3A_427, %all_reduce_population_count3A_446 : vector<16xi32>
        %mul3A_448 = arith.constant 8 : i32
        %mul3A_449 = arith.muli %scan3A_307, %mul3A_448 : i32
        %add3A_450 = arith.constant 7 : i32
        %add3A_451 = arith.addi %mul3A_449, %add3A_450 : i32
        %mul3A_452 = arith.constant 16 : i32
        %mul3A_453 = arith.muli %add3A_451, %mul3A_452 : i32
        %get3A_454 = arith.constant 0 : i32
        %get3A_455 = arith.index_cast %get3A_454 : i32 to index
        %get3A_456 = arith.index_cast %mul3A_453 : i32 to index
        %get3A_457 = tpu.vector_load %arg4[%get3A_455, %get3A_456] {strides = array<i32>} : memref<2x8192xf32, #tpu.memory_space<vmem>>, vector<16xf32>,
        %ge3A_458 = arith.cmpf oge, %get3A_457, %bitcast_convert_type3A_289 : vector<16xf32>
        %all_reduce_population_count3A_459 = tpu.all_reduce %ge3A_458 {dim = 0 : i64, kind = #tpu.reduction_kind<sum>} : vector<16xi1> -> vector<16xi32>
        %add3A_460 = arith.addi %add3A_440, %all_reduce_population_count3A_459 : vector<16xi32>
        %get3A_461 = arith.constant 1 : i32
        %get3A_462 = arith.index_cast %get3A_461 : i32 to index
        %get3A_463 = arith.index_cast %mul3A_453 : i32 to index
        %get3A_464 = tpu.vector_load %arg4[%get3A_462, %get3A_463] {strides = array<i32>} : memref<2x8192xf32, #tpu.memory_space<vmem>>, vector<16xf32>,
        %ge3A_465 = arith.cmpf oge, %get3A_464, %bitcast_convert_type3A_297 : vector<16xf32>
        %all_reduce_population_count3A_466 = tpu.all_reduce %ge3A_465 {dim = 0 : i64, kind = #tpu.reduction_kind<sum>} : vector<16xi1> -> vector<16xi32>
        %add3A_467 = arith.addi %add3A_447, %all_reduce_population_count3A_466 : vector<16xi32>
        scf.yield %add3A_460, %add3A_467 : vector<16xi32>, vector<16xi32>
      }
      %scan3A_303 = arith.constant 64 : i32
      %ge3A = arith.cmpi sge, %scan3A_302#0, %broadcast_in_dim3A_9 : vector<16xi32>
      %select_n3A_304 = arith.select %ge3A, %add3A_280, %scan3A_275 : vector<16xi1>, vector<16xi32>
      %ge3A_305 = arith.cmpi sge, %scan3A_302#1, %broadcast_in_dim3A_9 : vector<16xi32>
      %select_n3A_306 = arith.select %ge3A_305, %add3A_281, %scan3A_276 : vector<16xi1>, vector<16xi32>
      scf.yield %select_n3A_304, %select_n3A_306 : vector<16xi32>, vector<16xi32>
    }
    %scan3A_18 = arith.constant 11 : i32
    %swap3A = arith.constant 0 : index
    %swap3A_19 = tpu.vector_load %arg5[%swap3A] {strides = array<i32>} : memref<8224xf32, #tpu.memory_space<vmem>>, vector<16xf32>,
    tpu.vector_store %arg5[%swap3A], %broadcast_in_dim3A_13 {strides = array<i32>} : memref<8224xf32, #tpu.memory_space<vmem>>, vector<16xf32>,
    %swap3A_20 = arith.constant 0 : index
    %swap3A_21 = tpu.vector_load %arg6[%swap3A_20] {strides = array<i32>} : memref<8224xf32, #tpu.memory_space<vmem>>, vector<16xf32>,
    tpu.vector_store %arg6[%swap3A_20], %broadcast_in_dim3A_13 {strides = array<i32>} : memref<8224xf32, #tpu.memory_space<vmem>>, vector<16xf32>,
    %swap3A_22 = arith.constant 16 : index
    %swap3A_23 = tpu.vector_load %arg5[%swap3A_22] {strides = array<i32>} : memref<8224xf32, #tpu.memory_space<vmem>>, vector<16xf32>,
    tpu.vector_store %arg5[%swap3A_22], %broadcast_in_dim3A_13 {strides = array<i32>} : memref<8224xf32, #tpu.memory_space<vmem>>, vector<16xf32>,
    %swap3A_24 = arith.constant 16 : index
    %swap3A_25 = tpu.vector_load %arg6[%swap3A_24] {strides = array<i32>} : memref<8224xf32, #tpu.memory_space<vmem>>, vector<16xf32>,
    tpu.vector_store %arg6[%swap3A_24], %broadcast_in_dim3A_13 {strides = array<i32>} : memref<8224xf32, #tpu.memory_space<vmem>>, vector<16xf32>,
    %swap3A_26 = arith.constant 32 : index
    %swap3A_27 = tpu.vector_load %arg5[%swap3A_26] {strides = array<i32>} : memref<8224xf32, #tpu.memory_space<vmem>>, vector<16xf32>,
    tpu.vector_store %arg5[%swap3A_26], %broadcast_in_dim3A_13 {strides = array<i32>} : memref<8224xf32, #tpu.memory_space<vmem>>, vector<16xf32>,
    %swap3A_28 = arith.constant 32 : index
    %swap3A_29 = tpu.vector_load %arg6[%swap3A_28] {strides = array<i32>} : memref<8224xf32, #tpu.memory_space<vmem>>, vector<16xf32>,
    tpu.vector_store %arg6[%swap3A_28], %broadcast_in_dim3A_13 {strides = array<i32>} : memref<8224xf32, #tpu.memory_space<vmem>>, vector<16xf32>,
    %swap3A_30 = arith.constant 48 : index
    %swap3A_31 = tpu.vector_load %arg5[%swap3A_30] {strides = array<i32>} : memref<8224xf32, #tpu.memory_space<vmem>>, vector<16xf32>,
    tpu.vector_store %arg5[%swap3A_30], %broadcast_in_dim3A_13 {strides = array<i32>} : memref<8224xf32, #tpu.memory_space<vmem>>, vector<16xf32>,
    %swap3A_32 = arith.constant 48 : index
    %swap3A_33 = tpu.vector_load %arg6[%swap3A_32] {strides = array<i32>} : memref<8224xf32, #tpu.memory_space<vmem>>, vector<16xf32>,
    tpu.vector_store %arg6[%swap3A_32], %broadcast_in_dim3A_13 {strides = array<i32>} : memref<8224xf32, #tpu.memory_space<vmem>>, vector<16xf32>,
    %swap3A_34 = arith.constant 64 : index
    %swap3A_35 = tpu.vector_load %arg5[%swap3A_34] {strides = array<i32>} : memref<8224xf32, #tpu.memory_space<vmem>>, vector<16xf32>,
    tpu.vector_store %arg5[%swap3A_34], %broadcast_in_dim3A_13 {strides = array<i32>} : memref<8224xf32, #tpu.memory_space<vmem>>, vector<16xf32>,
    %swap3A_36 = arith.constant 64 : index
    %swap3A_37 = tpu.vector_load %arg6[%swap3A_36] {strides = array<i32>} : memref<8224xf32, #tpu.memory_space<vmem>>, vector<16xf32>,
    tpu.vector_store %arg6[%swap3A_36], %broadcast_in_dim3A_13 {strides = array<i32>} : memref<8224xf32, #tpu.memory_space<vmem>>, vector<16xf32>,
    %swap3A_38 = arith.constant 80 : index
    %swap3A_39 = tpu.vector_load %arg5[%swap3A_38] {strides = array<i32>} : memref<8224xf32, #tpu.memory_space<vmem>>, vector<16xf32>,
    tpu.vector_store %arg5[%swap3A_38], %broadcast_in_dim3A_13 {strides = array<i32>} : memref<8224xf32, #tpu.memory_space<vmem>>, vector<16xf32>,
    %swap3A_40 = arith.constant 80 : index
    %swap3A_41 = tpu.vector_load %arg6[%swap3A_40] {strides = array<i32>} : memref<8224xf32, #tpu.memory_space<vmem>>, vector<16xf32>,
    tpu.vector_store %arg6[%swap3A_40], %broadcast_in_dim3A_13 {strides = array<i32>} : memref<8224xf32, #tpu.memory_space<vmem>>, vector<16xf32>,
    %swap3A_42 = arith.constant 96 : index
    %swap3A_43 = tpu.vector_load %arg5[%swap3A_42] {strides = array<i32>} : memref<8224xf32, #tpu.memory_space<vmem>>, vector<16xf32>,
    tpu.vector_store %arg5[%swap3A_42], %broadcast_in_dim3A_13 {strides = array<i32>} : memref<8224xf32, #tpu.memory_space<vmem>>, vector<16xf32>,
    %swap3A_44 = arith.constant 96 : index
    %swap3A_45 = tpu.vector_load %arg6[%swap3A_44] {strides = array<i32>} : memref<8224xf32, #tpu.memory_space<vmem>>, vector<16xf32>,
    tpu.vector_store %arg6[%swap3A_44], %broadcast_in_dim3A_13 {strides = array<i32>} : memref<8224xf32, #tpu.memory_space<vmem>>, vector<16xf32>,
    %swap3A_46 = arith.constant 112 : index
    %swap3A_47 = tpu.vector_load %arg5[%swap3A_46] {strides = array<i32>} : memref<8224xf32, #tpu.memory_space<vmem>>, vector<16xf32>,
    tpu.vector_store %arg5[%swap3A_46], %broadcast_in_dim3A_13 {strides = array<i32>} : memref<8224xf32, #tpu.memory_space<vmem>>, vector<16xf32>,
    %swap3A_48 = arith.constant 112 : index
    %swap3A_49 = tpu.vector_load %arg6[%swap3A_48] {strides = array<i32>} : memref<8224xf32, #tpu.memory_space<vmem>>, vector<16xf32>,
    tpu.vector_store %arg6[%swap3A_48], %broadcast_in_dim3A_13 {strides = array<i32>} : memref<8224xf32, #tpu.memory_space<vmem>>, vector<16xf32>,
    %swap3A_50 = arith.constant 128 : index
    %swap3A_51 = tpu.vector_load %arg5[%swap3A_50] {strides = array<i32>} : memref<8224xf32, #tpu.memory_space<vmem>>, vector<16xf32>,
    tpu.vector_store %arg5[%swap3A_50], %broadcast_in_dim3A_13 {strides = array<i32>} : memref<8224xf32, #tpu.memory_space<vmem>>, vector<16xf32>,
    %swap3A_52 = arith.constant 128 : index
    %swap3A_53 = tpu.vector_load %arg6[%swap3A_52] {strides = array<i32>} : memref<8224xf32, #tpu.memory_space<vmem>>, vector<16xf32>,
    tpu.vector_store %arg6[%swap3A_52], %broadcast_in_dim3A_13 {strides = array<i32>} : memref<8224xf32, #tpu.memory_space<vmem>>, vector<16xf32>,
    %swap3A_54 = arith.constant 144 : index
    %swap3A_55 = tpu.vector_load %arg5[%swap3A_54] {strides = array<i32>} : memref<8224xf32, #tpu.memory_space<vmem>>, vector<16xf32>,
    tpu.vector_store %arg5[%swap3A_54], %broadcast_in_dim3A_13 {strides = array<i32>} : memref<8224xf32, #tpu.memory_space<vmem>>, vector<16xf32>,
    %swap3A_56 = arith.constant 144 : index
    %swap3A_57 = tpu.vector_load %arg6[%swap3A_56] {strides = array<i32>} : memref<8224xf32, #tpu.memory_space<vmem>>, vector<16xf32>,
    tpu.vector_store %arg6[%swap3A_56], %broadcast_in_dim3A_13 {strides = array<i32>} : memref<8224xf32, #tpu.memory_space<vmem>>, vector<16xf32>,
    %swap3A_58 = arith.constant 160 : index
    %swap3A_59 = tpu.vector_load %arg5[%swap3A_58] {strides = array<i32>} : memref<8224xf32, #tpu.memory_space<vmem>>, vector<16xf32>,
    tpu.vector_store %arg5[%swap3A_58], %broadcast_in_dim3A_13 {strides = array<i32>} : memref<8224xf32, #tpu.memory_space<vmem>>, vector<16xf32>,
    %swap3A_60 = arith.constant 160 : index
    %swap3A_61 = tpu.vector_load %arg6[%swap3A_60] {strides = array<i32>} : memref<8224xf32, #tpu.memory_space<vmem>>, vector<16xf32>,
    tpu.vector_store %arg6[%swap3A_60], %broadcast_in_dim3A_13 {strides = array<i32>} : memref<8224xf32, #tpu.memory_space<vmem>>, vector<16xf32>,
    %swap3A_62 = arith.constant 176 : index
    %swap3A_63 = tpu.vector_load %arg5[%swap3A_62] {strides = array<i32>} : memref<8224xf32, #tpu.memory_space<vmem>>, vector<16xf32>,
    tpu.vector_store %arg5[%swap3A_62], %broadcast_in_dim3A_13 {strides = array<i32>} : memref<8224xf32, #tpu.memory_space<vmem>>, vector<16xf32>,
    %swap3A_64 = arith.constant 176 : index
    %swap3A_65 = tpu.vector_load %arg6[%swap3A_64] {strides = array<i32>} : memref<8224xf32, #tpu.memory_space<vmem>>, vector<16xf32>,
    tpu.vector_store %arg6[%swap3A_64], %broadcast_in_dim3A_13 {strides = array<i32>} : memref<8224xf32, #tpu.memory_space<vmem>>, vector<16xf32>,
    %swap3A_66 = arith.constant 192 : index
    %swap3A_67 = tpu.vector_load %arg5[%swap3A_66] {strides = array<i32>} : memref<8224xf32, #tpu.memory_space<vmem>>, vector<16xf32>,
    tpu.vector_store %arg5[%swap3A_66], %broadcast_in_dim3A_13 {strides = array<i32>} : memref<8224xf32, #tpu.memory_space<vmem>>, vector<16xf32>,
    %swap3A_68 = arith.constant 192 : index
    %swap3A_69 = tpu.vector_load %arg6[%swap3A_68] {strides = array<i32>} : memref<8224xf32, #tpu.memory_space<vmem>>, vector<16xf32>,
    tpu.vector_store %arg6[%swap3A_68], %broadcast_in_dim3A_13 {strides = array<i32>} : memref<8224xf32, #tpu.memory_space<vmem>>, vector<16xf32>,
    %swap3A_70 = arith.constant 208 : index
    %swap3A_71 = tpu.vector_load %arg5[%swap3A_70] {strides = array<i32>} : memref<8224xf32, #tpu.memory_space<vmem>>, vector<16xf32>,
    tpu.vector_store %arg5[%swap3A_70], %broadcast_in_dim3A_13 {strides = array<i32>} : memref<8224xf32, #tpu.memory_space<vmem>>, vector<16xf32>,
    %swap3A_72 = arith.constant 208 : index
    %swap3A_73 = tpu.vector_load %arg6[%swap3A_72] {strides = array<i32>} : memref<8224xf32, #tpu.memory_space<vmem>>, vector<16xf32>,
    tpu.vector_store %arg6[%swap3A_72], %broadcast_in_dim3A_13 {strides = array<i32>} : memref<8224xf32, #tpu.memory_space<vmem>>, vector<16xf32>,
    %swap3A_74 = arith.constant 224 : index
    %swap3A_75 = tpu.vector_load %arg5[%swap3A_74] {strides = array<i32>} : memref<8224xf32, #tpu.memory_space<vmem>>, vector<16xf32>,
    tpu.vector_store %arg5[%swap3A_74], %broadcast_in_dim3A_13 {strides = array<i32>} : memref<8224xf32, #tpu.memory_space<vmem>>, vector<16xf32>,
    %swap3A_76 = arith.constant 224 : index
    %swap3A_77 = tpu.vector_load %arg6[%swap3A_76] {strides = array<i32>} : memref<8224xf32, #tpu.memory_space<vmem>>, vector<16xf32>,
    tpu.vector_store %arg6[%swap3A_76], %broadcast_in_dim3A_13 {strides = array<i32>} : memref<8224xf32, #tpu.memory_space<vmem>>, vector<16xf32>,
    %swap3A_78 = arith.constant 240 : index
    %swap3A_79 = tpu.vector_load %arg5[%swap3A_78] {strides = array<i32>} : memref<8224xf32, #tpu.memory_space<vmem>>, vector<16xf32>,
    tpu.vector_store %arg5[%swap3A_78], %broadcast_in_dim3A_13 {strides = array<i32>} : memref<8224xf32, #tpu.memory_space<vmem>>, vector<16xf32>,
    %swap3A_80 = arith.constant 240 : index
    %swap3A_81 = tpu.vector_load %arg6[%swap3A_80] {strides = array<i32>} : memref<8224xf32, #tpu.memory_space<vmem>>, vector<16xf32>,
    tpu.vector_store %arg6[%swap3A_80], %broadcast_in_dim3A_13 {strides = array<i32>} : memref<8224xf32, #tpu.memory_space<vmem>>, vector<16xf32>,
    %swap3A_82 = arith.constant 256 : index
    %swap3A_83 = tpu.vector_load %arg5[%swap3A_82] {strides = array<i32>} : memref<8224xf32, #tpu.memory_space<vmem>>, vector<16xf32>,
    tpu.vector_store %arg5[%swap3A_82], %broadcast_in_dim3A_13 {strides = array<i32>} : memref<8224xf32, #tpu.memory_space<vmem>>, vector<16xf32>,
    %swap3A_84 = arith.constant 256 : index
    %swap3A_85 = tpu.vector_load %arg6[%swap3A_84] {strides = array<i32>} : memref<8224xf32, #tpu.memory_space<vmem>>, vector<16xf32>,
    tpu.vector_store %arg6[%swap3A_84], %broadcast_in_dim3A_13 {strides = array<i32>} : memref<8224xf32, #tpu.memory_space<vmem>>, vector<16xf32>,
    %swap3A_86 = arith.constant 272 : index
    %swap3A_87 = tpu.vector_load %arg5[%swap3A_86] {strides = array<i32>} : memref<8224xf32, #tpu.memory_space<vmem>>, vector<16xf32>,
    tpu.vector_store %arg5[%swap3A_86], %broadcast_in_dim3A_13 {strides = array<i32>} : memref<8224xf32, #tpu.memory_space<vmem>>, vector<16xf32>,
    %swap3A_88 = arith.constant 272 : index
    %swap3A_89 = tpu.vector_load %arg6[%swap3A_88] {strides = array<i32>} : memref<8224xf32, #tpu.memory_space<vmem>>, vector<16xf32>,
    tpu.vector_store %arg6[%swap3A_88], %broadcast_in_dim3A_13 {strides = array<i32>} : memref<8224xf32, #tpu.memory_space<vmem>>, vector<16xf32>,
    %swap3A_90 = arith.constant 288 : index
    %swap3A_91 = tpu.vector_load %arg5[%swap3A_90] {strides = array<i32>} : memref<8224xf32, #tpu.memory_space<vmem>>, vector<16xf32>,
    tpu.vector_store %arg5[%swap3A_90], %broadcast_in_dim3A_13 {strides = array<i32>} : memref<8224xf32, #tpu.memory_space<vmem>>, vector<16xf32>,
    %swap3A_92 = arith.constant 288 : index
    %swap3A_93 = tpu.vector_load %arg6[%swap3A_92] {strides = array<i32>} : memref<8224xf32, #tpu.memory_space<vmem>>, vector<16xf32>,
    tpu.vector_store %arg6[%swap3A_92], %broadcast_in_dim3A_13 {strides = array<i32>} : memref<8224xf32, #tpu.memory_space<vmem>>, vector<16xf32>,
    %swap3A_94 = arith.constant 304 : index
    %swap3A_95 = tpu.vector_load %arg5[%swap3A_94] {strides = array<i32>} : memref<8224xf32, #tpu.memory_space<vmem>>, vector<16xf32>,
    tpu.vector_store %arg5[%swap3A_94], %broadcast_in_dim3A_13 {strides = array<i32>} : memref<8224xf32, #tpu.memory_space<vmem>>, vector<16xf32>,
    %swap3A_96 = arith.constant 304 : index
    %swap3A_97 = tpu.vector_load %arg6[%swap3A_96] {strides = array<i32>} : memref<8224xf32, #tpu.memory_space<vmem>>, vector<16xf32>,
    tpu.vector_store %arg6[%swap3A_96], %broadcast_in_dim3A_13 {strides = array<i32>} : memref<8224xf32, #tpu.memory_space<vmem>>, vector<16xf32>,
    %swap3A_98 = arith.constant 320 : index
    %swap3A_99 = tpu.vector_load %arg5[%swap3A_98] {strides = array<i32>} : memref<8224xf32, #tpu.memory_space<vmem>>, vector<16xf32>,
    tpu.vector_store %arg5[%swap3A_98], %broadcast_in_dim3A_13 {strides = array<i32>} : memref<8224xf32, #tpu.memory_space<vmem>>, vector<16xf32>,
    %swap3A_100 = arith.constant 320 : index
    %swap3A_101 = tpu.vector_load %arg6[%swap3A_100] {strides = array<i32>} : memref<8224xf32, #tpu.memory_space<vmem>>, vector<16xf32>,
    tpu.vector_store %arg6[%swap3A_100], %broadcast_in_dim3A_13 {strides = array<i32>} : memref<8224xf32, #tpu.memory_space<vmem>>, vector<16xf32>,
    %swap3A_102 = arith.constant 336 : index
    %swap3A_103 = tpu.vector_load %arg5[%swap3A_102] {strides = array<i32>} : memref<8224xf32, #tpu.memory_space<vmem>>, vector<16xf32>,
    tpu.vector_store %arg5[%swap3A_102], %broadcast_in_dim3A_13 {strides = array<i32>} : memref<8224xf32, #tpu.memory_space<vmem>>, vector<16xf32>,
    %swap3A_104 = arith.constant 336 : index
    %swap3A_105 = tpu.vector_load %arg6[%swap3A_104] {strides = array<i32>} : memref<8224xf32, #tpu.memory_space<vmem>>, vector<16xf32>,
    tpu.vector_store %arg6[%swap3A_104], %broadcast_in_dim3A_13 {strides = array<i32>} : memref<8224xf32, #tpu.memory_space<vmem>>, vector<16xf32>,
    %swap3A_106 = arith.constant 352 : index
    %swap3A_107 = tpu.vector_load %arg5[%swap3A_106] {strides = array<i32>} : memref<8224xf32, #tpu.memory_space<vmem>>, vector<16xf32>,
    tpu.vector_store %arg5[%swap3A_106], %broadcast_in_dim3A_13 {strides = array<i32>} : memref<8224xf32, #tpu.memory_space<vmem>>, vector<16xf32>,
    %swap3A_108 = arith.constant 352 : index
    %swap3A_109 = tpu.vector_load %arg6[%swap3A_108] {strides = array<i32>} : memref<8224xf32, #tpu.memory_space<vmem>>, vector<16xf32>,
    tpu.vector_store %arg6[%swap3A_108], %broadcast_in_dim3A_13 {strides = array<i32>} : memref<8224xf32, #tpu.memory_space<vmem>>, vector<16xf32>,
    %swap3A_110 = arith.constant 368 : index
    %swap3A_111 = tpu.vector_load %arg5[%swap3A_110] {strides = array<i32>} : memref<8224xf32, #tpu.memory_space<vmem>>, vector<16xf32>,
    tpu.vector_store %arg5[%swap3A_110], %broadcast_in_dim3A_13 {strides = array<i32>} : memref<8224xf32, #tpu.memory_space<vmem>>, vector<16xf32>,
    %swap3A_112 = arith.constant 368 : index
    %swap3A_113 = tpu.vector_load %arg6[%swap3A_112] {strides = array<i32>} : memref<8224xf32, #tpu.memory_space<vmem>>, vector<16xf32>,
    tpu.vector_store %arg6[%swap3A_112], %broadcast_in_dim3A_13 {strides = array<i32>} : memref<8224xf32, #tpu.memory_space<vmem>>, vector<16xf32>,
    %swap3A_114 = arith.constant 384 : index
    %swap3A_115 = tpu.vector_load %arg5[%swap3A_114] {strides = array<i32>} : memref<8224xf32, #tpu.memory_space<vmem>>, vector<16xf32>,
    tpu.vector_store %arg5[%swap3A_114], %broadcast_in_dim3A_13 {strides = array<i32>} : memref<8224xf32, #tpu.memory_space<vmem>>, vector<16xf32>,
    %swap3A_116 = arith.constant 384 : index
    %swap3A_117 = tpu.vector_load %arg6[%swap3A_116] {strides = array<i32>} : memref<8224xf32, #tpu.memory_space<vmem>>, vector<16xf32>,
    tpu.vector_store %arg6[%swap3A_116], %broadcast_in_dim3A_13 {strides = array<i32>} : memref<8224xf32, #tpu.memory_space<vmem>>, vector<16xf32>,
    %swap3A_118 = arith.constant 400 : index
    %swap3A_119 = tpu.vector_load %arg5[%swap3A_118] {strides = array<i32>} : memref<8224xf32, #tpu.memory_space<vmem>>, vector<16xf32>,
    tpu.vector_store %arg5[%swap3A_118], %broadcast_in_dim3A_13 {strides = array<i32>} : memref<8224xf32, #tpu.memory_space<vmem>>, vector<16xf32>,
    %swap3A_120 = arith.constant 400 : index
    %swap3A_121 = tpu.vector_load %arg6[%swap3A_120] {strides = array<i32>} : memref<8224xf32, #tpu.memory_space<vmem>>, vector<16xf32>,
    tpu.vector_store %arg6[%swap3A_120], %broadcast_in_dim3A_13 {strides = array<i32>} : memref<8224xf32, #tpu.memory_space<vmem>>, vector<16xf32>,
    %swap3A_122 = arith.constant 416 : index
    %swap3A_123 = tpu.vector_load %arg5[%swap3A_122] {strides = array<i32>} : memref<8224xf32, #tpu.memory_space<vmem>>, vector<16xf32>,
    tpu.vector_store %arg5[%swap3A_122], %broadcast_in_dim3A_13 {strides = array<i32>} : memref<8224xf32, #tpu.memory_space<vmem>>, vector<16xf32>,
    %swap3A_124 = arith.constant 416 : index
    %swap3A_125 = tpu.vector_load %arg6[%swap3A_124] {strides = array<i32>} : memref<8224xf32, #tpu.memory_space<vmem>>, vector<16xf32>,
    tpu.vector_store %arg6[%swap3A_124], %broadcast_in_dim3A_13 {strides = array<i32>} : memref<8224xf32, #tpu.memory_space<vmem>>, vector<16xf32>,
    %swap3A_126 = arith.constant 432 : index
    %swap3A_127 = tpu.vector_load %arg5[%swap3A_126] {strides = array<i32>} : memref<8224xf32, #tpu.memory_space<vmem>>, vector<16xf32>,
    tpu.vector_store %arg5[%swap3A_126], %broadcast_in_dim3A_13 {strides = array<i32>} : memref<8224xf32, #tpu.memory_space<vmem>>, vector<16xf32>,
    %swap3A_128 = arith.constant 432 : index
    %swap3A_129 = tpu.vector_load %arg6[%swap3A_128] {strides = array<i32>} : memref<8224xf32, #tpu.memory_space<vmem>>, vector<16xf32>,
    tpu.vector_store %arg6[%swap3A_128], %broadcast_in_dim3A_13 {strides = array<i32>} : memref<8224xf32, #tpu.memory_space<vmem>>, vector<16xf32>,
    %swap3A_130 = arith.constant 448 : index
    %swap3A_131 = tpu.vector_load %arg5[%swap3A_130] {strides = array<i32>} : memref<8224xf32, #tpu.memory_space<vmem>>, vector<16xf32>,
    tpu.vector_store %arg5[%swap3A_130], %broadcast_in_dim3A_13 {strides = array<i32>} : memref<8224xf32, #tpu.memory_space<vmem>>, vector<16xf32>,
    %swap3A_132 = arith.constant 448 : index
    %swap3A_133 = tpu.vector_load %arg6[%swap3A_132] {strides = array<i32>} : memref<8224xf32, #tpu.memory_space<vmem>>, vector<16xf32>,
    tpu.vector_store %arg6[%swap3A_132], %broadcast_in_dim3A_13 {strides = array<i32>} : memref<8224xf32, #tpu.memory_space<vmem>>, vector<16xf32>,
    %swap3A_134 = arith.constant 464 : index
    %swap3A_135 = tpu.vector_load %arg5[%swap3A_134] {strides = array<i32>} : memref<8224xf32, #tpu.memory_space<vmem>>, vector<16xf32>,
    tpu.vector_store %arg5[%swap3A_134], %broadcast_in_dim3A_13 {strides = array<i32>} : memref<8224xf32, #tpu.memory_space<vmem>>, vector<16xf32>,
    %swap3A_136 = arith.constant 464 : index
    %swap3A_137 = tpu.vector_load %arg6[%swap3A_136] {strides = array<i32>} : memref<8224xf32, #tpu.memory_space<vmem>>, vector<16xf32>,
    tpu.vector_store %arg6[%swap3A_136], %broadcast_in_dim3A_13 {strides = array<i32>} : memref<8224xf32, #tpu.memory_space<vmem>>, vector<16xf32>,
    %swap3A_138 = arith.constant 480 : index
    %swap3A_139 = tpu.vector_load %arg5[%swap3A_138] {strides = array<i32>} : memref<8224xf32, #tpu.memory_space<vmem>>, vector<16xf32>,
    tpu.vector_store %arg5[%swap3A_138], %broadcast_in_dim3A_13 {strides = array<i32>} : memref<8224xf32, #tpu.memory_space<vmem>>, vector<16xf32>,
    %swap3A_140 = arith.constant 480 : index
    %swap3A_141 = tpu.vector_load %arg6[%swap3A_140] {strides = array<i32>} : memref<8224xf32, #tpu.memory_space<vmem>>, vector<16xf32>,
    tpu.vector_store %arg6[%swap3A_140], %broadcast_in_dim3A_13 {strides = array<i32>} : memref<8224xf32, #tpu.memory_space<vmem>>, vector<16xf32>,
    %swap3A_142 = arith.constant 496 : index
    %swap3A_143 = tpu.vector_load %arg5[%swap3A_142] {strides = array<i32>} : memref<8224xf32, #tpu.memory_space<vmem>>, vector<16xf32>,
    tpu.vector_store %arg5[%swap3A_142], %broadcast_in_dim3A_13 {strides = array<i32>} : memref<8224xf32, #tpu.memory_space<vmem>>, vector<16xf32>,
    %swap3A_144 = arith.constant 496 : index
    %swap3A_145 = tpu.vector_load %arg6[%swap3A_144] {strides = array<i32>} : memref<8224xf32, #tpu.memory_space<vmem>>, vector<16xf32>,
    tpu.vector_store %arg6[%swap3A_144], %broadcast_in_dim3A_13 {strides = array<i32>} : memref<8224xf32, #tpu.memory_space<vmem>>, vector<16xf32>,
    %swap3A_146 = arith.constant 512 : index
    %swap3A_147 = tpu.vector_load %arg5[%swap3A_146] {strides = array<i32>} : memref<8224xf32, #tpu.memory_space<vmem>>, vector<16xf32>,
    tpu.vector_store %arg5[%swap3A_146], %broadcast_in_dim3A_13 {strides = array<i32>} : memref<8224xf32, #tpu.memory_space<vmem>>, vector<16xf32>,
    %swap3A_148 = arith.constant 512 : index
    %swap3A_149 = tpu.vector_load %arg6[%swap3A_148] {strides = array<i32>} : memref<8224xf32, #tpu.memory_space<vmem>>, vector<16xf32>,
    tpu.vector_store %arg6[%swap3A_148], %broadcast_in_dim3A_13 {strides = array<i32>} : memref<8224xf32, #tpu.memory_space<vmem>>, vector<16xf32>,
    %swap3A_150 = arith.constant 528 : index
    %swap3A_151 = tpu.vector_load %arg5[%swap3A_150] {strides = array<i32>} : memref<8224xf32, #tpu.memory_space<vmem>>, vector<16xf32>,
    tpu.vector_store %arg5[%swap3A_150], %broadcast_in_dim3A_13 {strides = array<i32>} : memref<8224xf32, #tpu.memory_space<vmem>>, vector<16xf32>,
    %swap3A_152 = arith.constant 528 : index
    %swap3A_153 = tpu.vector_load %arg6[%swap3A_152] {strides = array<i32>} : memref<8224xf32, #tpu.memory_space<vmem>>, vector<16xf32>,
    tpu.vector_store %arg6[%swap3A_152], %broadcast_in_dim3A_13 {strides = array<i32>} : memref<8224xf32, #tpu.memory_space<vmem>>, vector<16xf32>,
    %add3A_154 = arith.addi %scan3A_17#0, %broadcast_in_dim3A_3 : vector<16xi32>
    %broadcast_in_dim3A_155 = arith.constant 2147483647 : i32
    %broadcast_in_dim3A_156 = vector.broadcast %broadcast_in_dim3A_155 : i32 to vector<16xi32>
    %shift_right_arithmetic3A = arith.constant 31 : i32
    %shift_right_arithmetic3A_157 = vector.broadcast %shift_right_arithmetic3A : i32 to vector<16xi32>
    %shift_right_arithmetic3A_158 = arith.shrsi %add3A_154, %shift_right_arithmetic3A_157 : vector<16xi32>
    %and3A = arith.andi %shift_right_arithmetic3A_158, %broadcast_in_dim3A_156 : vector<16xi32>
    %xor3A = arith.xori %add3A_154, %and3A : vector<16xi32>
    %bitcast_convert_type3A = tpu.bitcast %xor3A : vector<16xi32> -> vector<16xf32>
    %add3A_159 = arith.addi %scan3A_17#1, %broadcast_in_dim3A_3 : vector<16xi32>
    %broadcast_in_dim3A_160 = arith.constant 2147483647 : i32
    %broadcast_in_dim3A_161 = vector.broadcast %broadcast_in_dim3A_160 : i32 to vector<16xi32>
    %shift_right_arithmetic3A_162 = arith.constant 31 : i32
    %shift_right_arithmetic3A_163 = vector.broadcast %shift_right_arithmetic3A_162 : i32 to vector<16xi32>
    %shift_right_arithmetic3A_164 = arith.shrsi %add3A_159, %shift_right_arithmetic3A_163 : vector<16xi32>
    %and3A_165 = arith.andi %shift_right_arithmetic3A_164, %broadcast_in_dim3A_161 : vector<16xi32>
    %xor3A_166 = arith.xori %add3A_159, %and3A_165 : vector<16xi32>
    %bitcast_convert_type3A_167 = tpu.bitcast %xor3A_166 : vector<16xi32> -> vector<16xf32>
    %scan3A_168 = arith.constant 0 : i32
    %scan3A_169 = arith.constant 64 : i32
    %scan3A_170 = arith.addi %scan3A_168, %scan3A_169 : i32
    %scan3A_171 = arith.constant 1 : i32
    %scan3A_172:2 = scf.for %scan3A_274 = %scan3A_168 to %scan3A_170 step %scan3A_171 iter_args(%scan3A_275 = %broadcast_in_dim3A_5, %scan3A_276 = %broadcast_in_dim3A_5) -> (vector<16xi32>, vector<16xi32>)  : i32 {
      %mul3A_277 = arith.constant 8 : i32
      %mul3A_278 = arith.muli %scan3A_274, %mul3A_277 : i32
      %add3A_279 = arith.constant 0 : i32
      %add3A_280 = arith.addi %mul3A_278, %add3A_279 : i32
      %mul3A_281 = arith.constant 16 : i32
      %mul3A_282 = arith.muli %add3A_280, %mul3A_281 : i32
      %get3A = arith.constant 0 : i32
      %get3A_283 = arith.index_cast %get3A : i32 to index
      %get3A_284 = arith.index_cast %mul3A_282 : i32 to index
      %get3A_285 = tpu.vector_load %arg4[%get3A_283, %get3A_284] {strides = array<i32>} : memref<2x8192xf32, #tpu.memory_space<vmem>>, vector<16xf32>,
      %ge3A = arith.cmpf oge, %get3A_285, %bitcast_convert_type3A : vector<16xf32>
      %masked_cumsum3A = tpu.scan <sum>, %broadcast_in_dim3A_3 masked %ge3A : vector<16xi32>, vector<16xi1> -> vector<16xi32>
      %add3A_286 = arith.addi %scan3A_275, %masked_cumsum3A : vector<16xi32>
      %sub3A_287 = arith.subi %add3A_286, %broadcast_in_dim3A_3 : vector<16xi32>
      tpu.vector_store_idx %arg5[%sub3A_287], %get3A_285 masked %ge3A : memref<8224xf32, #tpu.memory_space<vmem>>[vector<16xi32>], vector<16xf32>, vector<16xi1>
      %all_reduce_population_count3A = tpu.all_reduce %ge3A {dim = 0 : i64, kind = #tpu.reduction_kind<sum>} : vector<16xi1> -> vector<16xi32>
      %add3A_288 = arith.addi %scan3A_275, %all_reduce_population_count3A : vector<16xi32>
      %get3A_289 = arith.constant 1 : i32
      %get3A_290 = arith.index_cast %get3A_289 : i32 to index
      %get3A_291 = arith.index_cast %mul3A_282 : i32 to index
      %get3A_292 = tpu.vector_load %arg4[%get3A_290, %get3A_291] {strides = array<i32>} : memref<2x8192xf32, #tpu.memory_space<vmem>>, vector<16xf32>,
      %ge3A_293 = arith.cmpf oge, %get3A_292, %bitcast_convert_type3A_167 : vector<16xf32>
      %masked_cumsum3A_294 = tpu.scan <sum>, %broadcast_in_dim3A_3 masked %ge3A_293 : vector<16xi32>, vector<16xi1> -> vector<16xi32>
      %add3A_295 = arith.addi %scan3A_276, %masked_cumsum3A_294 : vector<16xi32>
      %sub3A_296 = arith.subi %add3A_295, %broadcast_in_dim3A_3 : vector<16xi32>
      tpu.vector_store_idx %arg6[%sub3A_296], %get3A_292 masked %ge3A_293 : memref<8224xf32, #tpu.memory_space<vmem>>[vector<16xi32>], vector<16xf32>, vector<16xi1>
      %all_reduce_population_count3A_297 = tpu.all_reduce %ge3A_293 {dim = 0 : i64, kind = #tpu.reduction_kind<sum>} : vector<16xi1> -> vector<16xi32>
      %add3A_298 = arith.addi %scan3A_276, %all_reduce_population_count3A_297 : vector<16xi32>
      %mul3A_299 = arith.constant 8 : i32
      %mul3A_300 = arith.muli %scan3A_274, %mul3A_299 : i32
      %add3A_301 = arith.constant 1 : i32
      %add3A_302 = arith.addi %mul3A_300, %add3A_301 : i32
      %mul3A_303 = arith.constant 16 : i32
      %mul3A_304 = arith.muli %add3A_302, %mul3A_303 : i32
      %get3A_305 = arith.constant 0 : i32
      %get3A_306 = arith.index_cast %get3A_305 : i32 to index
      %get3A_307 = arith.index_cast %mul3A_304 : i32 to index
      %get3A_308 = tpu.vector_load %arg4[%get3A_306, %get3A_307] {strides = array<i32>} : memref<2x8192xf32, #tpu.memory_space<vmem>>, vector<16xf32>,
      %ge3A_309 = arith.cmpf oge, %get3A_308, %bitcast_convert_type3A : vector<16xf32>
      %masked_cumsum3A_310 = tpu.scan <sum>, %broadcast_in_dim3A_3 masked %ge3A_309 : vector<16xi32>, vector<16xi1> -> vector<16xi32>
      %add3A_311 = arith.addi %add3A_288, %masked_cumsum3A_310 : vector<16xi32>
      %sub3A_312 = arith.subi %add3A_311, %broadcast_in_dim3A_3 : vector<16xi32>
      tpu.vector_store_idx %arg5[%sub3A_312], %get3A_308 masked %ge3A_309 : memref<8224xf32, #tpu.memory_space<vmem>>[vector<16xi32>], vector<16xf32>, vector<16xi1>
      %all_reduce_population_count3A_313 = tpu.all_reduce %ge3A_309 {dim = 0 : i64, kind = #tpu.reduction_kind<sum>} : vector<16xi1> -> vector<16xi32>
      %add3A_314 = arith.addi %add3A_288, %all_reduce_population_count3A_313 : vector<16xi32>
      %get3A_315 = arith.constant 1 : i32
      %get3A_316 = arith.index_cast %get3A_315 : i32 to index
      %get3A_317 = arith.index_cast %mul3A_304 : i32 to index
      %get3A_318 = tpu.vector_load %arg4[%get3A_316, %get3A_317] {strides = array<i32>} : memref<2x8192xf32, #tpu.memory_space<vmem>>, vector<16xf32>,
      %ge3A_319 = arith.cmpf oge, %get3A_318, %bitcast_convert_type3A_167 : vector<16xf32>
      %masked_cumsum3A_320 = tpu.scan <sum>, %broadcast_in_dim3A_3 masked %ge3A_319 : vector<16xi32>, vector<16xi1> -> vector<16xi32>
      %add3A_321 = arith.addi %add3A_298, %masked_cumsum3A_320 : vector<16xi32>
      %sub3A_322 = arith.subi %add3A_321, %broadcast_in_dim3A_3 : vector<16xi32>
      tpu.vector_store_idx %arg6[%sub3A_322], %get3A_318 masked %ge3A_319 : memref<8224xf32, #tpu.memory_space<vmem>>[vector<16xi32>], vector<16xf32>, vector<16xi1>
      %all_reduce_population_count3A_323 = tpu.all_reduce %ge3A_319 {dim = 0 : i64, kind = #tpu.reduction_kind<sum>} : vector<16xi1> -> vector<16xi32>
      %add3A_324 = arith.addi %add3A_298, %all_reduce_population_count3A_323 : vector<16xi32>
      %mul3A_325 = arith.constant 8 : i32
      %mul3A_326 = arith.muli %scan3A_274, %mul3A_325 : i32
      %add3A_327 = arith.constant 2 : i32
      %add3A_328 = arith.addi %mul3A_326, %add3A_327 : i32
      %mul3A_329 = arith.constant 16 : i32
      %mul3A_330 = arith.muli %add3A_328, %mul3A_329 : i32
      %get3A_331 = arith.constant 0 : i32
      %get3A_332 = arith.index_cast %get3A_331 : i32 to index
      %get3A_333 = arith.index_cast %mul3A_330 : i32 to index
      %get3A_334 = tpu.vector_load %arg4[%get3A_332, %get3A_333] {strides = array<i32>} : memref<2x8192xf32, #tpu.memory_space<vmem>>, vector<16xf32>,
      %ge3A_335 = arith.cmpf oge, %get3A_334, %bitcast_convert_type3A : vector<16xf32>
      %masked_cumsum3A_336 = tpu.scan <sum>, %broadcast_in_dim3A_3 masked %ge3A_335 : vector<16xi32>, vector<16xi1> -> vector<16xi32>
      %add3A_337 = arith.addi %add3A_314, %masked_cumsum3A_336 : vector<16xi32>
      %sub3A_338 = arith.subi %add3A_337, %broadcast_in_dim3A_3 : vector<16xi32>
      tpu.vector_store_idx %arg5[%sub3A_338], %get3A_334 masked %ge3A_335 : memref<8224xf32, #tpu.memory_space<vmem>>[vector<16xi32>], vector<16xf32>, vector<16xi1>
      %all_reduce_population_count3A_339 = tpu.all_reduce %ge3A_335 {dim = 0 : i64, kind = #tpu.reduction_kind<sum>} : vector<16xi1> -> vector<16xi32>
      %add3A_340 = arith.addi %add3A_314, %all_reduce_population_count3A_339 : vector<16xi32>
      %get3A_341 = arith.constant 1 : i32
      %get3A_342 = arith.index_cast %get3A_341 : i32 to index
      %get3A_343 = arith.index_cast %mul3A_330 : i32 to index
      %get3A_344 = tpu.vector_load %arg4[%get3A_342, %get3A_343] {strides = array<i32>} : memref<2x8192xf32, #tpu.memory_space<vmem>>, vector<16xf32>,
      %ge3A_345 = arith.cmpf oge, %get3A_344, %bitcast_convert_type3A_167 : vector<16xf32>
      %masked_cumsum3A_346 = tpu.scan <sum>, %broadcast_in_dim3A_3 masked %ge3A_345 : vector<16xi32>, vector<16xi1> -> vector<16xi32>
      %add3A_347 = arith.addi %add3A_324, %masked_cumsum3A_346 : vector<16xi32>
      %sub3A_348 = arith.subi %add3A_347, %broadcast_in_dim3A_3 : vector<16xi32>
      tpu.vector_store_idx %arg6[%sub3A_348], %get3A_344 masked %ge3A_345 : memref<8224xf32, #tpu.memory_space<vmem>>[vector<16xi32>], vector<16xf32>, vector<16xi1>
      %all_reduce_population_count3A_349 = tpu.all_reduce %ge3A_345 {dim = 0 : i64, kind = #tpu.reduction_kind<sum>} : vector<16xi1> -> vector<16xi32>
      %add3A_350 = arith.addi %add3A_324, %all_reduce_population_count3A_349 : vector<16xi32>
      %mul3A_351 = arith.constant 8 : i32
      %mul3A_352 = arith.muli %scan3A_274, %mul3A_351 : i32
      %add3A_353 = arith.constant 3 : i32
      %add3A_354 = arith.addi %mul3A_352, %add3A_353 : i32
      %mul3A_355 = arith.constant 16 : i32
      %mul3A_356 = arith.muli %add3A_354, %mul3A_355 : i32
      %get3A_357 = arith.constant 0 : i32
      %get3A_358 = arith.index_cast %get3A_357 : i32 to index
      %get3A_359 = arith.index_cast %mul3A_356 : i32 to index
      %get3A_360 = tpu.vector_load %arg4[%get3A_358, %get3A_359] {strides = array<i32>} : memref<2x8192xf32, #tpu.memory_space<vmem>>, vector<16xf32>,
      %ge3A_361 = arith.cmpf oge, %get3A_360, %bitcast_convert_type3A : vector<16xf32>
      %masked_cumsum3A_362 = tpu.scan <sum>, %broadcast_in_dim3A_3 masked %ge3A_361 : vector<16xi32>, vector<16xi1> -> vector<16xi32>
      %add3A_363 = arith.addi %add3A_340, %masked_cumsum3A_362 : vector<16xi32>
      %sub3A_364 = arith.subi %add3A_363, %broadcast_in_dim3A_3 : vector<16xi32>
      tpu.vector_store_idx %arg5[%sub3A_364], %get3A_360 masked %ge3A_361 : memref<8224xf32, #tpu.memory_space<vmem>>[vector<16xi32>], vector<16xf32>, vector<16xi1>
      %all_reduce_population_count3A_365 = tpu.all_reduce %ge3A_361 {dim = 0 : i64, kind = #tpu.reduction_kind<sum>} : vector<16xi1> -> vector<16xi32>
      %add3A_366 = arith.addi %add3A_340, %all_reduce_population_count3A_365 : vector<16xi32>
      %get3A_367 = arith.constant 1 : i32
      %get3A_368 = arith.index_cast %get3A_367 : i32 to index
      %get3A_369 = arith.index_cast %mul3A_356 : i32 to index
      %get3A_370 = tpu.vector_load %arg4[%get3A_368, %get3A_369] {strides = array<i32>} : memref<2x8192xf32, #tpu.memory_space<vmem>>, vector<16xf32>,
      %ge3A_371 = arith.cmpf oge, %get3A_370, %bitcast_convert_type3A_167 : vector<16xf32>
      %masked_cumsum3A_372 = tpu.scan <sum>, %broadcast_in_dim3A_3 masked %ge3A_371 : vector<16xi32>, vector<16xi1> -> vector<16xi32>
      %add3A_373 = arith.addi %add3A_350, %masked_cumsum3A_372 : vector<16xi32>
      %sub3A_374 = arith.subi %add3A_373, %broadcast_in_dim3A_3 : vector<16xi32>
      tpu.vector_store_idx %arg6[%sub3A_374], %get3A_370 masked %ge3A_371 : memref<8224xf32, #tpu.memory_space<vmem>>[vector<16xi32>], vector<16xf32>, vector<16xi1>
      %all_reduce_population_count3A_375 = tpu.all_reduce %ge3A_371 {dim = 0 : i64, kind = #tpu.reduction_kind<sum>} : vector<16xi1> -> vector<16xi32>
      %add3A_376 = arith.addi %add3A_350, %all_reduce_population_count3A_375 : vector<16xi32>
      %mul3A_377 = arith.constant 8 : i32
      %mul3A_378 = arith.muli %scan3A_274, %mul3A_377 : i32
      %add3A_379 = arith.constant 4 : i32
      %add3A_380 = arith.addi %mul3A_378, %add3A_379 : i32
      %mul3A_381 = arith.constant 16 : i32
      %mul3A_382 = arith.muli %add3A_380, %mul3A_381 : i32
      %get3A_383 = arith.constant 0 : i32
      %get3A_384 = arith.index_cast %get3A_383 : i32 to index
      %get3A_385 = arith.index_cast %mul3A_382 : i32 to index
      %get3A_386 = tpu.vector_load %arg4[%get3A_384, %get3A_385] {strides = array<i32>} : memref<2x8192xf32, #tpu.memory_space<vmem>>, vector<16xf32>,
      %ge3A_387 = arith.cmpf oge, %get3A_386, %bitcast_convert_type3A : vector<16xf32>
      %masked_cumsum3A_388 = tpu.scan <sum>, %broadcast_in_dim3A_3 masked %ge3A_387 : vector<16xi32>, vector<16xi1> -> vector<16xi32>
      %add3A_389 = arith.addi %add3A_366, %masked_cumsum3A_388 : vector<16xi32>
      %sub3A_390 = arith.subi %add3A_389, %broadcast_in_dim3A_3 : vector<16xi32>
      tpu.vector_store_idx %arg5[%sub3A_390], %get3A_386 masked %ge3A_387 : memref<8224xf32, #tpu.memory_space<vmem>>[vector<16xi32>], vector<16xf32>, vector<16xi1>
      %all_reduce_population_count3A_391 = tpu.all_reduce %ge3A_387 {dim = 0 : i64, kind = #tpu.reduction_kind<sum>} : vector<16xi1> -> vector<16xi32>
      %add3A_392 = arith.addi %add3A_366, %all_reduce_population_count3A_391 : vector<16xi32>
      %get3A_393 = arith.constant 1 : i32
      %get3A_394 = arith.index_cast %get3A_393 : i32 to index
      %get3A_395 = arith.index_cast %mul3A_382 : i32 to index
      %get3A_396 = tpu.vector_load %arg4[%get3A_394, %get3A_395] {strides = array<i32>} : memref<2x8192xf32, #tpu.memory_space<vmem>>, vector<16xf32>,
      %ge3A_397 = arith.cmpf oge, %get3A_396, %bitcast_convert_type3A_167 : vector<16xf32>
      %masked_cumsum3A_398 = tpu.scan <sum>, %broadcast_in_dim3A_3 masked %ge3A_397 : vector<16xi32>, vector<16xi1> -> vector<16xi32>
      %add3A_399 = arith.addi %add3A_376, %masked_cumsum3A_398 : vector<16xi32>
      %sub3A_400 = arith.subi %add3A_399, %broadcast_in_dim3A_3 : vector<16xi32>
      tpu.vector_store_idx %arg6[%sub3A_400], %get3A_396 masked %ge3A_397 : memref<8224xf32, #tpu.memory_space<vmem>>[vector<16xi32>], vector<16xf32>, vector<16xi1>
      %all_reduce_population_count3A_401 = tpu.all_reduce %ge3A_397 {dim = 0 : i64, kind = #tpu.reduction_kind<sum>} : vector<16xi1> -> vector<16xi32>
      %add3A_402 = arith.addi %add3A_376, %all_reduce_population_count3A_401 : vector<16xi32>
      %mul3A_403 = arith.constant 8 : i32
      %mul3A_404 = arith.muli %scan3A_274, %mul3A_403 : i32
      %add3A_405 = arith.constant 5 : i32
      %add3A_406 = arith.addi %mul3A_404, %add3A_405 : i32
      %mul3A_407 = arith.constant 16 : i32
      %mul3A_408 = arith.muli %add3A_406, %mul3A_407 : i32
      %get3A_409 = arith.constant 0 : i32
      %get3A_410 = arith.index_cast %get3A_409 : i32 to index
      %get3A_411 = arith.index_cast %mul3A_408 : i32 to index
      %get3A_412 = tpu.vector_load %arg4[%get3A_410, %get3A_411] {strides = array<i32>} : memref<2x8192xf32, #tpu.memory_space<vmem>>, vector<16xf32>,
      %ge3A_413 = arith.cmpf oge, %get3A_412, %bitcast_convert_type3A : vector<16xf32>
      %masked_cumsum3A_414 = tpu.scan <sum>, %broadcast_in_dim3A_3 masked %ge3A_413 : vector<16xi32>, vector<16xi1> -> vector<16xi32>
      %add3A_415 = arith.addi %add3A_392, %masked_cumsum3A_414 : vector<16xi32>
      %sub3A_416 = arith.subi %add3A_415, %broadcast_in_dim3A_3 : vector<16xi32>
      tpu.vector_store_idx %arg5[%sub3A_416], %get3A_412 masked %ge3A_413 : memref<8224xf32, #tpu.memory_space<vmem>>[vector<16xi32>], vector<16xf32>, vector<16xi1>
      %all_reduce_population_count3A_417 = tpu.all_reduce %ge3A_413 {dim = 0 : i64, kind = #tpu.reduction_kind<sum>} : vector<16xi1> -> vector<16xi32>
      %add3A_418 = arith.addi %add3A_392, %all_reduce_population_count3A_417 : vector<16xi32>
      %get3A_419 = arith.constant 1 : i32
      %get3A_420 = arith.index_cast %get3A_419 : i32 to index
      %get3A_421 = arith.index_cast %mul3A_408 : i32 to index
      %get3A_422 = tpu.vector_load %arg4[%get3A_420, %get3A_421] {strides = array<i32>} : memref<2x8192xf32, #tpu.memory_space<vmem>>, vector<16xf32>,
      %ge3A_423 = arith.cmpf oge, %get3A_422, %bitcast_convert_type3A_167 : vector<16xf32>
      %masked_cumsum3A_424 = tpu.scan <sum>, %broadcast_in_dim3A_3 masked %ge3A_423 : vector<16xi32>, vector<16xi1> -> vector<16xi32>
      %add3A_425 = arith.addi %add3A_402, %masked_cumsum3A_424 : vector<16xi32>
      %sub3A_426 = arith.subi %add3A_425, %broadcast_in_dim3A_3 : vector<16xi32>
      tpu.vector_store_idx %arg6[%sub3A_426], %get3A_422 masked %ge3A_423 : memref<8224xf32, #tpu.memory_space<vmem>>[vector<16xi32>], vector<16xf32>, vector<16xi1>
      %all_reduce_population_count3A_427 = tpu.all_reduce %ge3A_423 {dim = 0 : i64, kind = #tpu.reduction_kind<sum>} : vector<16xi1> -> vector<16xi32>
      %add3A_428 = arith.addi %add3A_402, %all_reduce_population_count3A_427 : vector<16xi32>
      %mul3A_429 = arith.constant 8 : i32
      %mul3A_430 = arith.muli %scan3A_274, %mul3A_429 : i32
      %add3A_431 = arith.constant 6 : i32
      %add3A_432 = arith.addi %mul3A_430, %add3A_431 : i32
      %mul3A_433 = arith.constant 16 : i32
      %mul3A_434 = arith.muli %add3A_432, %mul3A_433 : i32
      %get3A_435 = arith.constant 0 : i32
      %get3A_436 = arith.index_cast %get3A_435 : i32 to index
      %get3A_437 = arith.index_cast %mul3A_434 : i32 to index
      %get3A_438 = tpu.vector_load %arg4[%get3A_436, %get3A_437] {strides = array<i32>} : memref<2x8192xf32, #tpu.memory_space<vmem>>, vector<16xf32>,
      %ge3A_439 = arith.cmpf oge, %get3A_438, %bitcast_convert_type3A : vector<16xf32>
      %masked_cumsum3A_440 = tpu.scan <sum>, %broadcast_in_dim3A_3 masked %ge3A_439 : vector<16xi32>, vector<16xi1> -> vector<16xi32>
      %add3A_441 = arith.addi %add3A_418, %masked_cumsum3A_440 : vector<16xi32>
      %sub3A_442 = arith.subi %add3A_441, %broadcast_in_dim3A_3 : vector<16xi32>
      tpu.vector_store_idx %arg5[%sub3A_442], %get3A_438 masked %ge3A_439 : memref<8224xf32, #tpu.memory_space<vmem>>[vector<16xi32>], vector<16xf32>, vector<16xi1>
      %all_reduce_population_count3A_443 = tpu.all_reduce %ge3A_439 {dim = 0 : i64, kind = #tpu.reduction_kind<sum>} : vector<16xi1> -> vector<16xi32>
      %add3A_444 = arith.addi %add3A_418, %all_reduce_population_count3A_443 : vector<16xi32>
      %get3A_445 = arith.constant 1 : i32
      %get3A_446 = arith.index_cast %get3A_445 : i32 to index
      %get3A_447 = arith.index_cast %mul3A_434 : i32 to index
      %get3A_448 = tpu.vector_load %arg4[%get3A_446, %get3A_447] {strides = array<i32>} : memref<2x8192xf32, #tpu.memory_space<vmem>>, vector<16xf32>,
      %ge3A_449 = arith.cmpf oge, %get3A_448, %bitcast_convert_type3A_167 : vector<16xf32>
      %masked_cumsum3A_450 = tpu.scan <sum>, %broadcast_in_dim3A_3 masked %ge3A_449 : vector<16xi32>, vector<16xi1> -> vector<16xi32>
      %add3A_451 = arith.addi %add3A_428, %masked_cumsum3A_450 : vector<16xi32>
      %sub3A_452 = arith.subi %add3A_451, %broadcast_in_dim3A_3 : vector<16xi32>
      tpu.vector_store_idx %arg6[%sub3A_452], %get3A_448 masked %ge3A_449 : memref<8224xf32, #tpu.memory_space<vmem>>[vector<16xi32>], vector<16xf32>, vector<16xi1>
      %all_reduce_population_count3A_453 = tpu.all_reduce %ge3A_449 {dim = 0 : i64, kind = #tpu.reduction_kind<sum>} : vector<16xi1> -> vector<16xi32>
      %add3A_454 = arith.addi %add3A_428, %all_reduce_population_count3A_453 : vector<16xi32>
      %mul3A_455 = arith.constant 8 : i32
      %mul3A_456 = arith.muli %scan3A_274, %mul3A_455 : i32
      %add3A_457 = arith.constant 7 : i32
      %add3A_458 = arith.addi %mul3A_456, %add3A_457 : i32
      %mul3A_459 = arith.constant 16 : i32
      %mul3A_460 = arith.muli %add3A_458, %mul3A_459 : i32
      %get3A_461 = arith.constant 0 : i32
      %get3A_462 = arith.index_cast %get3A_461 : i32 to index
      %get3A_463 = arith.index_cast %mul3A_460 : i32 to index
      %get3A_464 = tpu.vector_load %arg4[%get3A_462, %get3A_463] {strides = array<i32>} : memref<2x8192xf32, #tpu.memory_space<vmem>>, vector<16xf32>,
      %ge3A_465 = arith.cmpf oge, %get3A_464, %bitcast_convert_type3A : vector<16xf32>
      %masked_cumsum3A_466 = tpu.scan <sum>, %broadcast_in_dim3A_3 masked %ge3A_465 : vector<16xi32>, vector<16xi1> -> vector<16xi32>
      %add3A_467 = arith.addi %add3A_444, %masked_cumsum3A_466 : vector<16xi32>
      %sub3A_468 = arith.subi %add3A_467, %broadcast_in_dim3A_3 : vector<16xi32>
      tpu.vector_store_idx %arg5[%sub3A_468], %get3A_464 masked %ge3A_465 : memref<8224xf32, #tpu.memory_space<vmem>>[vector<16xi32>], vector<16xf32>, vector<16xi1>
      %all_reduce_population_count3A_469 = tpu.all_reduce %ge3A_465 {dim = 0 : i64, kind = #tpu.reduction_kind<sum>} : vector<16xi1> -> vector<16xi32>
      %add3A_470 = arith.addi %add3A_444, %all_reduce_population_count3A_469 : vector<16xi32>
      %get3A_471 = arith.constant 1 : i32
      %get3A_472 = arith.index_cast %get3A_471 : i32 to index
      %get3A_473 = arith.index_cast %mul3A_460 : i32 to index
      %get3A_474 = tpu.vector_load %arg4[%get3A_472, %get3A_473] {strides = array<i32>} : memref<2x8192xf32, #tpu.memory_space<vmem>>, vector<16xf32>,
      %ge3A_475 = arith.cmpf oge, %get3A_474, %bitcast_convert_type3A_167 : vector<16xf32>
      %masked_cumsum3A_476 = tpu.scan <sum>, %broadcast_in_dim3A_3 masked %ge3A_475 : vector<16xi32>, vector<16xi1> -> vector<16xi32>
      %add3A_477 = arith.addi %add3A_454, %masked_cumsum3A_476 : vector<16xi32>
      %sub3A_478 = arith.subi %add3A_477, %broadcast_in_dim3A_3 : vector<16xi32>
      tpu.vector_store_idx %arg6[%sub3A_478], %get3A_474 masked %ge3A_475 : memref<8224xf32, #tpu.memory_space<vmem>>[vector<16xi32>], vector<16xf32>, vector<16xi1>
      %all_reduce_population_count3A_479 = tpu.all_reduce %ge3A_475 {dim = 0 : i64, kind = #tpu.reduction_kind<sum>} : vector<16xi1> -> vector<16xi32>
      %add3A_480 = arith.addi %add3A_454, %all_reduce_population_count3A_479 : vector<16xi32>
      scf.yield %add3A_470, %add3A_480 : vector<16xi32>, vector<16xi32>
    }
    %scan3A_173 = arith.constant 64 : i32
    %slice3A = vector.extract_strided_slice %scan3A_172#0 {offsets = [0], sizes = [1], strides = [1]} : vector<16xi32> to vector<1xi32>
    %squeeze3A = vector.extract %slice3A[0] : i32 from vector<1xi32>
    %swap3A_174 = arith.index_cast %squeeze3A : i32 to index
    %swap3A_175 = tpu.vector_load %arg5[%swap3A_174] {strides = array<i32>} : memref<8224xf32, #tpu.memory_space<vmem>>, vector<16xf32>,
    tpu.vector_store %arg5[%swap3A_174], %broadcast_in_dim3A_13 {strides = array<i32>} : memref<8224xf32, #tpu.memory_space<vmem>>, vector<16xf32>,
    %add3A_176 = arith.constant 16 : i32
    %add3A_177 = arith.addi %squeeze3A, %add3A_176 : i32
    %swap3A_178 = arith.index_cast %add3A_177 : i32 to index
    %swap3A_179 = tpu.vector_load %arg5[%swap3A_178] {strides = array<i32>} : memref<8224xf32, #tpu.memory_space<vmem>>, vector<16xf32>,
    tpu.vector_store %arg5[%swap3A_178], %broadcast_in_dim3A_13 {strides = array<i32>} : memref<8224xf32, #tpu.memory_space<vmem>>, vector<16xf32>,
    %add3A_180 = arith.constant 16 : i32
    %add3A_181 = arith.addi %squeeze3A, %add3A_180 : i32
    %sub3A = arith.constant 1 : i32
    %sub3A_182 = arith.subi %add3A_181, %sub3A : i32
    %jit3A = arith.constant 16 : i32
    %div3A = arith.divsi %sub3A_182, %jit3A : i32
    %sign3A = arith.constant 0 : i32
    %sign3A_183 = arith.cmpi sgt, %sub3A_182, %sign3A : i32
    %sign3A_184 = arith.extui %sign3A_183 : i1 to i32
    %sign3A_185 = arith.constant 0 : i32
    %sign3A_186 = arith.cmpi slt, %sub3A_182, %sign3A_185 : i32
    %sign3A_187 = arith.extui %sign3A_186 : i1 to i32
    %sign3A_188 = arith.subi %sign3A_184, %sign3A_187 : i32
    %sign3A_189 = arith.constant 0 : i32
    %sign3A_190 = arith.cmpi sgt, %jit3A, %sign3A_189 : i32
    %sign3A_191 = arith.extui %sign3A_190 : i1 to i32
    %sign3A_192 = arith.constant 0 : i32
    %sign3A_193 = arith.cmpi slt, %jit3A, %sign3A_192 : i32
    %sign3A_194 = arith.extui %sign3A_193 : i1 to i32
    %sign3A_195 = arith.subi %sign3A_191, %sign3A_194 : i32
    %ne3A = arith.cmpi ne, %sign3A_188, %sign3A_195 : i32
    %rem3A = arith.remsi %sub3A_182, %jit3A : i32
    %ne3A_196 = arith.constant 0 : i32
    %ne3A_197 = arith.cmpi ne, %rem3A, %ne3A_196 : i32
    %and3A_198 = arith.andi %ne3A, %ne3A_197 : i1
    %sub3A_199 = arith.constant 1 : i32
    %sub3A_200 = arith.subi %div3A, %sub3A_199 : i32
    %select_n3A = arith.select %and3A_198, %sub3A_200, %div3A : i32
    %max3A = arith.constant 32 : i32
    %max3A_201 = arith.maxsi %select_n3A, %max3A : i32
    %scan3A_202 = arith.constant 0 : i32
    %scan3A_203 = arith.constant 21 : i32
    %scan3A_204 = arith.addi %scan3A_202, %scan3A_203 : i32
    %scan3A_205 = arith.constant 1 : i32
    %scan3A_206 = scf.for %scan3A_274 = %scan3A_202 to %scan3A_204 step %scan3A_205 iter_args(%scan3A_275 = %scan3A_17#0) -> (vector<16xi32>)  : i32 {
      %sub3A_276 = arith.constant 20 : i32
      %sub3A_277 = arith.subi %sub3A_276, %scan3A_274 : i32
      %broadcast_in_dim3A_278 = vector.broadcast %sub3A_277 : i32 to vector<16xi32>
      %shift_left3A = arith.shli %broadcast_in_dim3A_3, %broadcast_in_dim3A_278 : vector<16xi32>
      %add3A_279 = arith.addi %scan3A_275, %shift_left3A : vector<16xi32>
      %broadcast_in_dim3A_280 = arith.constant 2147483647 : i32
      %broadcast_in_dim3A_281 = vector.broadcast %broadcast_in_dim3A_280 : i32 to vector<16xi32>
      %shift_right_arithmetic3A_282 = arith.constant 31 : i32
      %shift_right_arithmetic3A_283 = vector.broadcast %shift_right_arithmetic3A_282 : i32 to vector<16xi32>
      %shift_right_arithmetic3A_284 = arith.shrsi %add3A_279, %shift_right_arithmetic3A_283 : vector<16xi32>
      %and3A_285 = arith.andi %shift_right_arithmetic3A_284, %broadcast_in_dim3A_281 : vector<16xi32>
      %xor3A_286 = arith.xori %add3A_279, %and3A_285 : vector<16xi32>
      %bitcast_convert_type3A_287 = tpu.bitcast %xor3A_286 : vector<16xi32> -> vector<16xf32>
      %get3A = arith.constant 0 : index
      %get3A_288 = tpu.vector_load %arg5[%get3A] {strides = array<i32>} : memref<8224xf32, #tpu.memory_space<vmem>>, vector<16xf32>,
      %ge3A = arith.cmpf oge, %get3A_288, %bitcast_convert_type3A_287 : vector<16xf32>
      %all_reduce_population_count3A = tpu.all_reduce %ge3A {dim = 0 : i64, kind = #tpu.reduction_kind<sum>} : vector<16xi1> -> vector<16xi32>
      %add3A_289 = arith.addi %broadcast_in_dim3A_5, %all_reduce_population_count3A : vector<16xi32>
      %get3A_290 = arith.constant 16 : index
      %get3A_291 = tpu.vector_load %arg5[%get3A_290] {strides = array<i32>} : memref<8224xf32, #tpu.memory_space<vmem>>, vector<16xf32>,
      %ge3A_292 = arith.cmpf oge, %get3A_291, %bitcast_convert_type3A_287 : vector<16xf32>
      %all_reduce_population_count3A_293 = tpu.all_reduce %ge3A_292 {dim = 0 : i64, kind = #tpu.reduction_kind<sum>} : vector<16xi1> -> vector<16xi32>
      %add3A_294 = arith.addi %add3A_289, %all_reduce_population_count3A_293 : vector<16xi32>
      %get3A_295 = arith.constant 32 : index
      %get3A_296 = tpu.vector_load %arg5[%get3A_295] {strides = array<i32>} : memref<8224xf32, #tpu.memory_space<vmem>>, vector<16xf32>,
      %ge3A_297 = arith.cmpf oge, %get3A_296, %bitcast_convert_type3A_287 : vector<16xf32>
      %all_reduce_population_count3A_298 = tpu.all_reduce %ge3A_297 {dim = 0 : i64, kind = #tpu.reduction_kind<sum>} : vector<16xi1> -> vector<16xi32>
      %add3A_299 = arith.addi %add3A_294, %all_reduce_population_count3A_298 : vector<16xi32>
      %get3A_300 = arith.constant 48 : index
      %get3A_301 = tpu.vector_load %arg5[%get3A_300] {strides = array<i32>} : memref<8224xf32, #tpu.memory_space<vmem>>, vector<16xf32>,
      %ge3A_302 = arith.cmpf oge, %get3A_301, %bitcast_convert_type3A_287 : vector<16xf32>
      %all_reduce_population_count3A_303 = tpu.all_reduce %ge3A_302 {dim = 0 : i64, kind = #tpu.reduction_kind<sum>} : vector<16xi1> -> vector<16xi32>
      %add3A_304 = arith.addi %add3A_299, %all_reduce_population_count3A_303 : vector<16xi32>
      %get3A_305 = arith.constant 64 : index
      %get3A_306 = tpu.vector_load %arg5[%get3A_305] {strides = array<i32>} : memref<8224xf32, #tpu.memory_space<vmem>>, vector<16xf32>,
      %ge3A_307 = arith.cmpf oge, %get3A_306, %bitcast_convert_type3A_287 : vector<16xf32>
      %all_reduce_population_count3A_308 = tpu.all_reduce %ge3A_307 {dim = 0 : i64, kind = #tpu.reduction_kind<sum>} : vector<16xi1> -> vector<16xi32>
      %add3A_309 = arith.addi %add3A_304, %all_reduce_population_count3A_308 : vector<16xi32>
      %get3A_310 = arith.constant 80 : index
      %get3A_311 = tpu.vector_load %arg5[%get3A_310] {strides = array<i32>} : memref<8224xf32, #tpu.memory_space<vmem>>, vector<16xf32>,
      %ge3A_312 = arith.cmpf oge, %get3A_311, %bitcast_convert_type3A_287 : vector<16xf32>
      %all_reduce_population_count3A_313 = tpu.all_reduce %ge3A_312 {dim = 0 : i64, kind = #tpu.reduction_kind<sum>} : vector<16xi1> -> vector<16xi32>
      %add3A_314 = arith.addi %add3A_309, %all_reduce_population_count3A_313 : vector<16xi32>
      %get3A_315 = arith.constant 96 : index
      %get3A_316 = tpu.vector_load %arg5[%get3A_315] {strides = array<i32>} : memref<8224xf32, #tpu.memory_space<vmem>>, vector<16xf32>,
      %ge3A_317 = arith.cmpf oge, %get3A_316, %bitcast_convert_type3A_287 : vector<16xf32>
      %all_reduce_population_count3A_318 = tpu.all_reduce %ge3A_317 {dim = 0 : i64, kind = #tpu.reduction_kind<sum>} : vector<16xi1> -> vector<16xi32>
      %add3A_319 = arith.addi %add3A_314, %all_reduce_population_count3A_318 : vector<16xi32>
      %get3A_320 = arith.constant 112 : index
      %get3A_321 = tpu.vector_load %arg5[%get3A_320] {strides = array<i32>} : memref<8224xf32, #tpu.memory_space<vmem>>, vector<16xf32>,
      %ge3A_322 = arith.cmpf oge, %get3A_321, %bitcast_convert_type3A_287 : vector<16xf32>
      %all_reduce_population_count3A_323 = tpu.all_reduce %ge3A_322 {dim = 0 : i64, kind = #tpu.reduction_kind<sum>} : vector<16xi1> -> vector<16xi32>
      %add3A_324 = arith.addi %add3A_319, %all_reduce_population_count3A_323 : vector<16xi32>
      %get3A_325 = arith.constant 128 : index
      %get3A_326 = tpu.vector_load %arg5[%get3A_325] {strides = array<i32>} : memref<8224xf32, #tpu.memory_space<vmem>>, vector<16xf32>,
      %ge3A_327 = arith.cmpf oge, %get3A_326, %bitcast_convert_type3A_287 : vector<16xf32>
      %all_reduce_population_count3A_328 = tpu.all_reduce %ge3A_327 {dim = 0 : i64, kind = #tpu.reduction_kind<sum>} : vector<16xi1> -> vector<16xi32>
      %add3A_329 = arith.addi %add3A_324, %all_reduce_population_count3A_328 : vector<16xi32>
      %get3A_330 = arith.constant 144 : index
      %get3A_331 = tpu.vector_load %arg5[%get3A_330] {strides = array<i32>} : memref<8224xf32, #tpu.memory_space<vmem>>, vector<16xf32>,
      %ge3A_332 = arith.cmpf oge, %get3A_331, %bitcast_convert_type3A_287 : vector<16xf32>
      %all_reduce_population_count3A_333 = tpu.all_reduce %ge3A_332 {dim = 0 : i64, kind = #tpu.reduction_kind<sum>} : vector<16xi1> -> vector<16xi32>
      %add3A_334 = arith.addi %add3A_329, %all_reduce_population_count3A_333 : vector<16xi32>
      %get3A_335 = arith.constant 160 : index
      %get3A_336 = tpu.vector_load %arg5[%get3A_335] {strides = array<i32>} : memref<8224xf32, #tpu.memory_space<vmem>>, vector<16xf32>,
      %ge3A_337 = arith.cmpf oge, %get3A_336, %bitcast_convert_type3A_287 : vector<16xf32>
      %all_reduce_population_count3A_338 = tpu.all_reduce %ge3A_337 {dim = 0 : i64, kind = #tpu.reduction_kind<sum>} : vector<16xi1> -> vector<16xi32>
      %add3A_339 = arith.addi %add3A_334, %all_reduce_population_count3A_338 : vector<16xi32>
      %get3A_340 = arith.constant 176 : index
      %get3A_341 = tpu.vector_load %arg5[%get3A_340] {strides = array<i32>} : memref<8224xf32, #tpu.memory_space<vmem>>, vector<16xf32>,
      %ge3A_342 = arith.cmpf oge, %get3A_341, %bitcast_convert_type3A_287 : vector<16xf32>
      %all_reduce_population_count3A_343 = tpu.all_reduce %ge3A_342 {dim = 0 : i64, kind = #tpu.reduction_kind<sum>} : vector<16xi1> -> vector<16xi32>
      %add3A_344 = arith.addi %add3A_339, %all_reduce_population_count3A_343 : vector<16xi32>
      %get3A_345 = arith.constant 192 : index
      %get3A_346 = tpu.vector_load %arg5[%get3A_345] {strides = array<i32>} : memref<8224xf32, #tpu.memory_space<vmem>>, vector<16xf32>,
      %ge3A_347 = arith.cmpf oge, %get3A_346, %bitcast_convert_type3A_287 : vector<16xf32>
      %all_reduce_population_count3A_348 = tpu.all_reduce %ge3A_347 {dim = 0 : i64, kind = #tpu.reduction_kind<sum>} : vector<16xi1> -> vector<16xi32>
      %add3A_349 = arith.addi %add3A_344, %all_reduce_population_count3A_348 : vector<16xi32>
      %get3A_350 = arith.constant 208 : index
      %get3A_351 = tpu.vector_load %arg5[%get3A_350] {strides = array<i32>} : memref<8224xf32, #tpu.memory_space<vmem>>, vector<16xf32>,
      %ge3A_352 = arith.cmpf oge, %get3A_351, %bitcast_convert_type3A_287 : vector<16xf32>
      %all_reduce_population_count3A_353 = tpu.all_reduce %ge3A_352 {dim = 0 : i64, kind = #tpu.reduction_kind<sum>} : vector<16xi1> -> vector<16xi32>
      %add3A_354 = arith.addi %add3A_349, %all_reduce_population_count3A_353 : vector<16xi32>
      %get3A_355 = arith.constant 224 : index
      %get3A_356 = tpu.vector_load %arg5[%get3A_355] {strides = array<i32>} : memref<8224xf32, #tpu.memory_space<vmem>>, vector<16xf32>,
      %ge3A_357 = arith.cmpf oge, %get3A_356, %bitcast_convert_type3A_287 : vector<16xf32>
      %all_reduce_population_count3A_358 = tpu.all_reduce %ge3A_357 {dim = 0 : i64, kind = #tpu.reduction_kind<sum>} : vector<16xi1> -> vector<16xi32>
      %add3A_359 = arith.addi %add3A_354, %all_reduce_population_count3A_358 : vector<16xi32>
      %get3A_360 = arith.constant 240 : index
      %get3A_361 = tpu.vector_load %arg5[%get3A_360] {strides = array<i32>} : memref<8224xf32, #tpu.memory_space<vmem>>, vector<16xf32>,
      %ge3A_362 = arith.cmpf oge, %get3A_361, %bitcast_convert_type3A_287 : vector<16xf32>
      %all_reduce_population_count3A_363 = tpu.all_reduce %ge3A_362 {dim = 0 : i64, kind = #tpu.reduction_kind<sum>} : vector<16xi1> -> vector<16xi32>
      %add3A_364 = arith.addi %add3A_359, %all_reduce_population_count3A_363 : vector<16xi32>
      %get3A_365 = arith.constant 256 : index
      %get3A_366 = tpu.vector_load %arg5[%get3A_365] {strides = array<i32>} : memref<8224xf32, #tpu.memory_space<vmem>>, vector<16xf32>,
      %ge3A_367 = arith.cmpf oge, %get3A_366, %bitcast_convert_type3A_287 : vector<16xf32>
      %all_reduce_population_count3A_368 = tpu.all_reduce %ge3A_367 {dim = 0 : i64, kind = #tpu.reduction_kind<sum>} : vector<16xi1> -> vector<16xi32>
      %add3A_369 = arith.addi %add3A_364, %all_reduce_population_count3A_368 : vector<16xi32>
      %get3A_370 = arith.constant 272 : index
      %get3A_371 = tpu.vector_load %arg5[%get3A_370] {strides = array<i32>} : memref<8224xf32, #tpu.memory_space<vmem>>, vector<16xf32>,
      %ge3A_372 = arith.cmpf oge, %get3A_371, %bitcast_convert_type3A_287 : vector<16xf32>
      %all_reduce_population_count3A_373 = tpu.all_reduce %ge3A_372 {dim = 0 : i64, kind = #tpu.reduction_kind<sum>} : vector<16xi1> -> vector<16xi32>
      %add3A_374 = arith.addi %add3A_369, %all_reduce_population_count3A_373 : vector<16xi32>
      %get3A_375 = arith.constant 288 : index
      %get3A_376 = tpu.vector_load %arg5[%get3A_375] {strides = array<i32>} : memref<8224xf32, #tpu.memory_space<vmem>>, vector<16xf32>,
      %ge3A_377 = arith.cmpf oge, %get3A_376, %bitcast_convert_type3A_287 : vector<16xf32>
      %all_reduce_population_count3A_378 = tpu.all_reduce %ge3A_377 {dim = 0 : i64, kind = #tpu.reduction_kind<sum>} : vector<16xi1> -> vector<16xi32>
      %add3A_379 = arith.addi %add3A_374, %all_reduce_population_count3A_378 : vector<16xi32>
      %get3A_380 = arith.constant 304 : index
      %get3A_381 = tpu.vector_load %arg5[%get3A_380] {strides = array<i32>} : memref<8224xf32, #tpu.memory_space<vmem>>, vector<16xf32>,
      %ge3A_382 = arith.cmpf oge, %get3A_381, %bitcast_convert_type3A_287 : vector<16xf32>
      %all_reduce_population_count3A_383 = tpu.all_reduce %ge3A_382 {dim = 0 : i64, kind = #tpu.reduction_kind<sum>} : vector<16xi1> -> vector<16xi32>
      %add3A_384 = arith.addi %add3A_379, %all_reduce_population_count3A_383 : vector<16xi32>
      %get3A_385 = arith.constant 320 : index
      %get3A_386 = tpu.vector_load %arg5[%get3A_385] {strides = array<i32>} : memref<8224xf32, #tpu.memory_space<vmem>>, vector<16xf32>,
      %ge3A_387 = arith.cmpf oge, %get3A_386, %bitcast_convert_type3A_287 : vector<16xf32>
      %all_reduce_population_count3A_388 = tpu.all_reduce %ge3A_387 {dim = 0 : i64, kind = #tpu.reduction_kind<sum>} : vector<16xi1> -> vector<16xi32>
      %add3A_389 = arith.addi %add3A_384, %all_reduce_population_count3A_388 : vector<16xi32>
      %get3A_390 = arith.constant 336 : index
      %get3A_391 = tpu.vector_load %arg5[%get3A_390] {strides = array<i32>} : memref<8224xf32, #tpu.memory_space<vmem>>, vector<16xf32>,
      %ge3A_392 = arith.cmpf oge, %get3A_391, %bitcast_convert_type3A_287 : vector<16xf32>
      %all_reduce_population_count3A_393 = tpu.all_reduce %ge3A_392 {dim = 0 : i64, kind = #tpu.reduction_kind<sum>} : vector<16xi1> -> vector<16xi32>
      %add3A_394 = arith.addi %add3A_389, %all_reduce_population_count3A_393 : vector<16xi32>
      %get3A_395 = arith.constant 352 : index
      %get3A_396 = tpu.vector_load %arg5[%get3A_395] {strides = array<i32>} : memref<8224xf32, #tpu.memory_space<vmem>>, vector<16xf32>,
      %ge3A_397 = arith.cmpf oge, %get3A_396, %bitcast_convert_type3A_287 : vector<16xf32>
      %all_reduce_population_count3A_398 = tpu.all_reduce %ge3A_397 {dim = 0 : i64, kind = #tpu.reduction_kind<sum>} : vector<16xi1> -> vector<16xi32>
      %add3A_399 = arith.addi %add3A_394, %all_reduce_population_count3A_398 : vector<16xi32>
      %get3A_400 = arith.constant 368 : index
      %get3A_401 = tpu.vector_load %arg5[%get3A_400] {strides = array<i32>} : memref<8224xf32, #tpu.memory_space<vmem>>, vector<16xf32>,
      %ge3A_402 = arith.cmpf oge, %get3A_401, %bitcast_convert_type3A_287 : vector<16xf32>
      %all_reduce_population_count3A_403 = tpu.all_reduce %ge3A_402 {dim = 0 : i64, kind = #tpu.reduction_kind<sum>} : vector<16xi1> -> vector<16xi32>
      %add3A_404 = arith.addi %add3A_399, %all_reduce_population_count3A_403 : vector<16xi32>
      %get3A_405 = arith.constant 384 : index
      %get3A_406 = tpu.vector_load %arg5[%get3A_405] {strides = array<i32>} : memref<8224xf32, #tpu.memory_space<vmem>>, vector<16xf32>,
      %ge3A_407 = arith.cmpf oge, %get3A_406, %bitcast_convert_type3A_287 : vector<16xf32>
      %all_reduce_population_count3A_408 = tpu.all_reduce %ge3A_407 {dim = 0 : i64, kind = #tpu.reduction_kind<sum>} : vector<16xi1> -> vector<16xi32>
      %add3A_409 = arith.addi %add3A_404, %all_reduce_population_count3A_408 : vector<16xi32>
      %get3A_410 = arith.constant 400 : index
      %get3A_411 = tpu.vector_load %arg5[%get3A_410] {strides = array<i32>} : memref<8224xf32, #tpu.memory_space<vmem>>, vector<16xf32>,
      %ge3A_412 = arith.cmpf oge, %get3A_411, %bitcast_convert_type3A_287 : vector<16xf32>
      %all_reduce_population_count3A_413 = tpu.all_reduce %ge3A_412 {dim = 0 : i64, kind = #tpu.reduction_kind<sum>} : vector<16xi1> -> vector<16xi32>
      %add3A_414 = arith.addi %add3A_409, %all_reduce_population_count3A_413 : vector<16xi32>
      %get3A_415 = arith.constant 416 : index
      %get3A_416 = tpu.vector_load %arg5[%get3A_415] {strides = array<i32>} : memref<8224xf32, #tpu.memory_space<vmem>>, vector<16xf32>,
      %ge3A_417 = arith.cmpf oge, %get3A_416, %bitcast_convert_type3A_287 : vector<16xf32>
      %all_reduce_population_count3A_418 = tpu.all_reduce %ge3A_417 {dim = 0 : i64, kind = #tpu.reduction_kind<sum>} : vector<16xi1> -> vector<16xi32>
      %add3A_419 = arith.addi %add3A_414, %all_reduce_population_count3A_418 : vector<16xi32>
      %get3A_420 = arith.constant 432 : index
      %get3A_421 = tpu.vector_load %arg5[%get3A_420] {strides = array<i32>} : memref<8224xf32, #tpu.memory_space<vmem>>, vector<16xf32>,
      %ge3A_422 = arith.cmpf oge, %get3A_421, %bitcast_convert_type3A_287 : vector<16xf32>
      %all_reduce_population_count3A_423 = tpu.all_reduce %ge3A_422 {dim = 0 : i64, kind = #tpu.reduction_kind<sum>} : vector<16xi1> -> vector<16xi32>
      %add3A_424 = arith.addi %add3A_419, %all_reduce_population_count3A_423 : vector<16xi32>
      %get3A_425 = arith.constant 448 : index
      %get3A_426 = tpu.vector_load %arg5[%get3A_425] {strides = array<i32>} : memref<8224xf32, #tpu.memory_space<vmem>>, vector<16xf32>,
      %ge3A_427 = arith.cmpf oge, %get3A_426, %bitcast_convert_type3A_287 : vector<16xf32>
      %all_reduce_population_count3A_428 = tpu.all_reduce %ge3A_427 {dim = 0 : i64, kind = #tpu.reduction_kind<sum>} : vector<16xi1> -> vector<16xi32>
      %add3A_429 = arith.addi %add3A_424, %all_reduce_population_count3A_428 : vector<16xi32>
      %get3A_430 = arith.constant 464 : index
      %get3A_431 = tpu.vector_load %arg5[%get3A_430] {strides = array<i32>} : memref<8224xf32, #tpu.memory_space<vmem>>, vector<16xf32>,
      %ge3A_432 = arith.cmpf oge, %get3A_431, %bitcast_convert_type3A_287 : vector<16xf32>
      %all_reduce_population_count3A_433 = tpu.all_reduce %ge3A_432 {dim = 0 : i64, kind = #tpu.reduction_kind<sum>} : vector<16xi1> -> vector<16xi32>
      %add3A_434 = arith.addi %add3A_429, %all_reduce_population_count3A_433 : vector<16xi32>
      %get3A_435 = arith.constant 480 : index
      %get3A_436 = tpu.vector_load %arg5[%get3A_435] {strides = array<i32>} : memref<8224xf32, #tpu.memory_space<vmem>>, vector<16xf32>,
      %ge3A_437 = arith.cmpf oge, %get3A_436, %bitcast_convert_type3A_287 : vector<16xf32>
      %all_reduce_population_count3A_438 = tpu.all_reduce %ge3A_437 {dim = 0 : i64, kind = #tpu.reduction_kind<sum>} : vector<16xi1> -> vector<16xi32>
      %add3A_439 = arith.addi %add3A_434, %all_reduce_population_count3A_438 : vector<16xi32>
      %get3A_440 = arith.constant 496 : index
      %get3A_441 = tpu.vector_load %arg5[%get3A_440] {strides = array<i32>} : memref<8224xf32, #tpu.memory_space<vmem>>, vector<16xf32>,
      %ge3A_442 = arith.cmpf oge, %get3A_441, %bitcast_convert_type3A_287 : vector<16xf32>
      %all_reduce_population_count3A_443 = tpu.all_reduce %ge3A_442 {dim = 0 : i64, kind = #tpu.reduction_kind<sum>} : vector<16xi1> -> vector<16xi32>
      %add3A_444 = arith.addi %add3A_439, %all_reduce_population_count3A_443 : vector<16xi32>
      %while3A = arith.constant 32 : i32
      %while3A_445 = arith.subi %max3A_201, %while3A : i32
      %while3A_446 = arith.addi %while3A, %while3A_445 : i32
      %while3A_447 = arith.constant 1 : i32
      %while3A_448 = arith.divsi %while3A_445, %while3A_447 : i32
      %while3A_449 = arith.muli %while3A_448, %while3A_447 : i32
      %while3A_450 = arith.addi %while3A, %while3A_449 : i32
      %while3A_451 = arith.constant 1 : i32
      %while3A_452 = scf.for %while3A_457 = %while3A to %while3A_450 step %while3A_451 iter_args(%while3A_458 = %add3A_444) -> (vector<16xi32>)  : i32 {
        %mul3A_459 = arith.constant 16 : i32
        %mul3A_460 = arith.muli %while3A_457, %mul3A_459 : i32
        %get3A_461 = arith.index_cast %mul3A_460 : i32 to index
        %get3A_462 = tpu.vector_load %arg5[%get3A_461] {strides = array<i32>} : memref<8224xf32, #tpu.memory_space<vmem>>, vector<16xf32>,
        %ge3A_463 = arith.cmpf oge, %get3A_462, %bitcast_convert_type3A_287 : vector<16xf32>
        %all_reduce_population_count3A_464 = tpu.all_reduce %ge3A_463 {dim = 0 : i64, kind = #tpu.reduction_kind<sum>} : vector<16xi1> -> vector<16xi32>
        %add3A_465 = arith.addi %while3A_458, %all_reduce_population_count3A_464 : vector<16xi32>
        scf.yield %add3A_465 : vector<16xi32>
      }
      %while3A_453 = arith.constant 1 : i32
      %while3A_454 = scf.for %while3A_457 = %while3A_450 to %while3A_446 step %while3A_453 iter_args(%while3A_458 = %while3A_452) -> (vector<16xi32>)  : i32 {
        %mul3A_459 = arith.constant 16 : i32
        %mul3A_460 = arith.muli %while3A_457, %mul3A_459 : i32
        %get3A_461 = arith.index_cast %mul3A_460 : i32 to index
        %get3A_462 = tpu.vector_load %arg5[%get3A_461] {strides = array<i32>} : memref<8224xf32, #tpu.memory_space<vmem>>, vector<16xf32>,
        %ge3A_463 = arith.cmpf oge, %get3A_462, %bitcast_convert_type3A_287 : vector<16xf32>
        %all_reduce_population_count3A_464 = tpu.all_reduce %ge3A_463 {dim = 0 : i64, kind = #tpu.reduction_kind<sum>} : vector<16xi1> -> vector<16xi32>
        %add3A_465 = arith.addi %while3A_458, %all_reduce_population_count3A_464 : vector<16xi32>
        scf.yield %add3A_465 : vector<16xi32>
      }
      %ge3A_455 = arith.cmpi sge, %while3A_454, %broadcast_in_dim3A_9 : vector<16xi32>
      %select_n3A_456 = arith.select %ge3A_455, %add3A_279, %scan3A_275 : vector<16xi1>, vector<16xi32>
      scf.yield %select_n3A_456 : vector<16xi32>
    }
    %scan3A_207 = arith.constant 21 : i32
    %broadcast_in_dim3A_208 = arith.constant 2147483647 : i32
    %broadcast_in_dim3A_209 = vector.broadcast %broadcast_in_dim3A_208 : i32 to vector<16xi32>
    %shift_right_arithmetic3A_210 = arith.constant 31 : i32
    %shift_right_arithmetic3A_211 = vector.broadcast %shift_right_arithmetic3A_210 : i32 to vector<16xi32>
    %shift_right_arithmetic3A_212 = arith.shrsi %scan3A_206, %shift_right_arithmetic3A_211 : vector<16xi32>
    %and3A_213 = arith.andi %shift_right_arithmetic3A_212, %broadcast_in_dim3A_209 : vector<16xi32>
    %xor3A_214 = arith.xori %scan3A_206, %and3A_213 : vector<16xi32>
    %bitcast_convert_type3A_215 = tpu.bitcast %xor3A_214 : vector<16xi32> -> vector<16xf32>
    %slice3A_216 = vector.extract_strided_slice %scan3A_172#1 {offsets = [0], sizes = [1], strides = [1]} : vector<16xi32> to vector<1xi32>
    %squeeze3A_217 = vector.extract %slice3A_216[0] : i32 from vector<1xi32>
    %swap3A_218 = arith.index_cast %squeeze3A_217 : i32 to index
    %swap3A_219 = tpu.vector_load %arg6[%swap3A_218] {strides = array<i32>} : memref<8224xf32, #tpu.memory_space<vmem>>, vector<16xf32>,
    tpu.vector_store %arg6[%swap3A_218], %broadcast_in_dim3A_13 {strides = array<i32>} : memref<8224xf32, #tpu.memory_space<vmem>>, vector<16xf32>,
    %add3A_220 = arith.constant 16 : i32
    %add3A_221 = arith.addi %squeeze3A_217, %add3A_220 : i32
    %swap3A_222 = arith.index_cast %add3A_221 : i32 to index
    %swap3A_223 = tpu.vector_load %arg6[%swap3A_222] {strides = array<i32>} : memref<8224xf32, #tpu.memory_space<vmem>>, vector<16xf32>,
    tpu.vector_store %arg6[%swap3A_222], %broadcast_in_dim3A_13 {strides = array<i32>} : memref<8224xf32, #tpu.memory_space<vmem>>, vector<16xf32>,
    %add3A_224 = arith.constant 16 : i32
    %add3A_225 = arith.addi %squeeze3A_217, %add3A_224 : i32
    %sub3A_226 = arith.constant 1 : i32
    %sub3A_227 = arith.subi %add3A_225, %sub3A_226 : i32
    %jit3A_228 = arith.constant 16 : i32
    %div3A_229 = arith.divsi %sub3A_227, %jit3A_228 : i32
    %sign3A_230 = arith.constant 0 : i32
    %sign3A_231 = arith.cmpi sgt, %sub3A_227, %sign3A_230 : i32
    %sign3A_232 = arith.extui %sign3A_231 : i1 to i32
    %sign3A_233 = arith.constant 0 : i32
    %sign3A_234 = arith.cmpi slt, %sub3A_227, %sign3A_233 : i32
    %sign3A_235 = arith.extui %sign3A_234 : i1 to i32
    %sign3A_236 = arith.subi %sign3A_232, %sign3A_235 : i32
    %sign3A_237 = arith.constant 0 : i32
    %sign3A_238 = arith.cmpi sgt, %jit3A_228, %sign3A_237 : i32
    %sign3A_239 = arith.extui %sign3A_238 : i1 to i32
    %sign3A_240 = arith.constant 0 : i32
    %sign3A_241 = arith.cmpi slt, %jit3A_228, %sign3A_240 : i32
    %sign3A_242 = arith.extui %sign3A_241 : i1 to i32
    %sign3A_243 = arith.subi %sign3A_239, %sign3A_242 : i32
    %ne3A_244 = arith.cmpi ne, %sign3A_236, %sign3A_243 : i32
    %rem3A_245 = arith.remsi %sub3A_227, %jit3A_228 : i32
    %ne3A_246 = arith.constant 0 : i32
    %ne3A_247 = arith.cmpi ne, %rem3A_245, %ne3A_246 : i32
    %and3A_248 = arith.andi %ne3A_244, %ne3A_247 : i1
    %sub3A_249 = arith.constant 1 : i32
    %sub3A_250 = arith.subi %div3A_229, %sub3A_249 : i32
    %select_n3A_251 = arith.select %and3A_248, %sub3A_250, %div3A_229 : i32
    %max3A_252 = arith.constant 32 : i32
    %max3A_253 = arith.maxsi %select_n3A_251, %max3A_252 : i32
    %scan3A_254 = arith.constant 0 : i32
    %scan3A_255 = arith.constant 21 : i32
    %scan3A_256 = arith.addi %scan3A_254, %scan3A_255 : i32
    %scan3A_257 = arith.constant 1 : i32
    %scan3A_258 = scf.for %scan3A_274 = %scan3A_254 to %scan3A_256 step %scan3A_257 iter_args(%scan3A_275 = %scan3A_17#1) -> (vector<16xi32>)  : i32 {
      %sub3A_276 = arith.constant 20 : i32
      %sub3A_277 = arith.subi %sub3A_276, %scan3A_274 : i32
      %broadcast_in_dim3A_278 = vector.broadcast %sub3A_277 : i32 to vector<16xi32>
      %shift_left3A = arith.shli %broadcast_in_dim3A_3, %broadcast_in_dim3A_278 : vector<16xi32>
      %add3A_279 = arith.addi %scan3A_275, %shift_left3A : vector<16xi32>
      %broadcast_in_dim3A_280 = arith.constant 2147483647 : i32
      %broadcast_in_dim3A_281 = vector.broadcast %broadcast_in_dim3A_280 : i32 to vector<16xi32>
      %shift_right_arithmetic3A_282 = arith.constant 31 : i32
      %shift_right_arithmetic3A_283 = vector.broadcast %shift_right_arithmetic3A_282 : i32 to vector<16xi32>
      %shift_right_arithmetic3A_284 = arith.shrsi %add3A_279, %shift_right_arithmetic3A_283 : vector<16xi32>
      %and3A_285 = arith.andi %shift_right_arithmetic3A_284, %broadcast_in_dim3A_281 : vector<16xi32>
      %xor3A_286 = arith.xori %add3A_279, %and3A_285 : vector<16xi32>
      %bitcast_convert_type3A_287 = tpu.bitcast %xor3A_286 : vector<16xi32> -> vector<16xf32>
      %get3A = arith.constant 0 : index
      %get3A_288 = tpu.vector_load %arg6[%get3A] {strides = array<i32>} : memref<8224xf32, #tpu.memory_space<vmem>>, vector<16xf32>,
      %ge3A = arith.cmpf oge, %get3A_288, %bitcast_convert_type3A_287 : vector<16xf32>
      %all_reduce_population_count3A = tpu.all_reduce %ge3A {dim = 0 : i64, kind = #tpu.reduction_kind<sum>} : vector<16xi1> -> vector<16xi32>
      %add3A_289 = arith.addi %broadcast_in_dim3A_5, %all_reduce_population_count3A : vector<16xi32>
      %get3A_290 = arith.constant 16 : index
      %get3A_291 = tpu.vector_load %arg6[%get3A_290] {strides = array<i32>} : memref<8224xf32, #tpu.memory_space<vmem>>, vector<16xf32>,
      %ge3A_292 = arith.cmpf oge, %get3A_291, %bitcast_convert_type3A_287 : vector<16xf32>
      %all_reduce_population_count3A_293 = tpu.all_reduce %ge3A_292 {dim = 0 : i64, kind = #tpu.reduction_kind<sum>} : vector<16xi1> -> vector<16xi32>
      %add3A_294 = arith.addi %add3A_289, %all_reduce_population_count3A_293 : vector<16xi32>
      %get3A_295 = arith.constant 32 : index
      %get3A_296 = tpu.vector_load %arg6[%get3A_295] {strides = array<i32>} : memref<8224xf32, #tpu.memory_space<vmem>>, vector<16xf32>,
      %ge3A_297 = arith.cmpf oge, %get3A_296, %bitcast_convert_type3A_287 : vector<16xf32>
      %all_reduce_population_count3A_298 = tpu.all_reduce %ge3A_297 {dim = 0 : i64, kind = #tpu.reduction_kind<sum>} : vector<16xi1> -> vector<16xi32>
      %add3A_299 = arith.addi %add3A_294, %all_reduce_population_count3A_298 : vector<16xi32>
      %get3A_300 = arith.constant 48 : index
      %get3A_301 = tpu.vector_load %arg6[%get3A_300] {strides = array<i32>} : memref<8224xf32, #tpu.memory_space<vmem>>, vector<16xf32>,
      %ge3A_302 = arith.cmpf oge, %get3A_301, %bitcast_convert_type3A_287 : vector<16xf32>
      %all_reduce_population_count3A_303 = tpu.all_reduce %ge3A_302 {dim = 0 : i64, kind = #tpu.reduction_kind<sum>} : vector<16xi1> -> vector<16xi32>
      %add3A_304 = arith.addi %add3A_299, %all_reduce_population_count3A_303 : vector<16xi32>
      %get3A_305 = arith.constant 64 : index
      %get3A_306 = tpu.vector_load %arg6[%get3A_305] {strides = array<i32>} : memref<8224xf32, #tpu.memory_space<vmem>>, vector<16xf32>,
      %ge3A_307 = arith.cmpf oge, %get3A_306, %bitcast_convert_type3A_287 : vector<16xf32>
      %all_reduce_population_count3A_308 = tpu.all_reduce %ge3A_307 {dim = 0 : i64, kind = #tpu.reduction_kind<sum>} : vector<16xi1> -> vector<16xi32>
      %add3A_309 = arith.addi %add3A_304, %all_reduce_population_count3A_308 : vector<16xi32>
      %get3A_310 = arith.constant 80 : index
      %get3A_311 = tpu.vector_load %arg6[%get3A_310] {strides = array<i32>} : memref<8224xf32, #tpu.memory_space<vmem>>, vector<16xf32>,
      %ge3A_312 = arith.cmpf oge, %get3A_311, %bitcast_convert_type3A_287 : vector<16xf32>
      %all_reduce_population_count3A_313 = tpu.all_reduce %ge3A_312 {dim = 0 : i64, kind = #tpu.reduction_kind<sum>} : vector<16xi1> -> vector<16xi32>
      %add3A_314 = arith.addi %add3A_309, %all_reduce_population_count3A_313 : vector<16xi32>
      %get3A_315 = arith.constant 96 : index
      %get3A_316 = tpu.vector_load %arg6[%get3A_315] {strides = array<i32>} : memref<8224xf32, #tpu.memory_space<vmem>>, vector<16xf32>,
      %ge3A_317 = arith.cmpf oge, %get3A_316, %bitcast_convert_type3A_287 : vector<16xf32>
      %all_reduce_population_count3A_318 = tpu.all_reduce %ge3A_317 {dim = 0 : i64, kind = #tpu.reduction_kind<sum>} : vector<16xi1> -> vector<16xi32>
      %add3A_319 = arith.addi %add3A_314, %all_reduce_population_count3A_318 : vector<16xi32>
      %get3A_320 = arith.constant 112 : index
      %get3A_321 = tpu.vector_load %arg6[%get3A_320] {strides = array<i32>} : memref<8224xf32, #tpu.memory_space<vmem>>, vector<16xf32>,
      %ge3A_322 = arith.cmpf oge, %get3A_321, %bitcast_convert_type3A_287 : vector<16xf32>
      %all_reduce_population_count3A_323 = tpu.all_reduce %ge3A_322 {dim = 0 : i64, kind = #tpu.reduction_kind<sum>} : vector<16xi1> -> vector<16xi32>
      %add3A_324 = arith.addi %add3A_319, %all_reduce_population_count3A_323 : vector<16xi32>
      %get3A_325 = arith.constant 128 : index
      %get3A_326 = tpu.vector_load %arg6[%get3A_325] {strides = array<i32>} : memref<8224xf32, #tpu.memory_space<vmem>>, vector<16xf32>,
      %ge3A_327 = arith.cmpf oge, %get3A_326, %bitcast_convert_type3A_287 : vector<16xf32>
      %all_reduce_population_count3A_328 = tpu.all_reduce %ge3A_327 {dim = 0 : i64, kind = #tpu.reduction_kind<sum>} : vector<16xi1> -> vector<16xi32>
      %add3A_329 = arith.addi %add3A_324, %all_reduce_population_count3A_328 : vector<16xi32>
      %get3A_330 = arith.constant 144 : index
      %get3A_331 = tpu.vector_load %arg6[%get3A_330] {strides = array<i32>} : memref<8224xf32, #tpu.memory_space<vmem>>, vector<16xf32>,
      %ge3A_332 = arith.cmpf oge, %get3A_331, %bitcast_convert_type3A_287 : vector<16xf32>
      %all_reduce_population_count3A_333 = tpu.all_reduce %ge3A_332 {dim = 0 : i64, kind = #tpu.reduction_kind<sum>} : vector<16xi1> -> vector<16xi32>
      %add3A_334 = arith.addi %add3A_329, %all_reduce_population_count3A_333 : vector<16xi32>
      %get3A_335 = arith.constant 160 : index
      %get3A_336 = tpu.vector_load %arg6[%get3A_335] {strides = array<i32>} : memref<8224xf32, #tpu.memory_space<vmem>>, vector<16xf32>,
      %ge3A_337 = arith.cmpf oge, %get3A_336, %bitcast_convert_type3A_287 : vector<16xf32>
      %all_reduce_population_count3A_338 = tpu.all_reduce %ge3A_337 {dim = 0 : i64, kind = #tpu.reduction_kind<sum>} : vector<16xi1> -> vector<16xi32>
      %add3A_339 = arith.addi %add3A_334, %all_reduce_population_count3A_338 : vector<16xi32>
      %get3A_340 = arith.constant 176 : index
      %get3A_341 = tpu.vector_load %arg6[%get3A_340] {strides = array<i32>} : memref<8224xf32, #tpu.memory_space<vmem>>, vector<16xf32>,
      %ge3A_342 = arith.cmpf oge, %get3A_341, %bitcast_convert_type3A_287 : vector<16xf32>
      %all_reduce_population_count3A_343 = tpu.all_reduce %ge3A_342 {dim = 0 : i64, kind = #tpu.reduction_kind<sum>} : vector<16xi1> -> vector<16xi32>
      %add3A_344 = arith.addi %add3A_339, %all_reduce_population_count3A_343 : vector<16xi32>
      %get3A_345 = arith.constant 192 : index
      %get3A_346 = tpu.vector_load %arg6[%get3A_345] {strides = array<i32>} : memref<8224xf32, #tpu.memory_space<vmem>>, vector<16xf32>,
      %ge3A_347 = arith.cmpf oge, %get3A_346, %bitcast_convert_type3A_287 : vector<16xf32>
      %all_reduce_population_count3A_348 = tpu.all_reduce %ge3A_347 {dim = 0 : i64, kind = #tpu.reduction_kind<sum>} : vector<16xi1> -> vector<16xi32>
      %add3A_349 = arith.addi %add3A_344, %all_reduce_population_count3A_348 : vector<16xi32>
      %get3A_350 = arith.constant 208 : index
      %get3A_351 = tpu.vector_load %arg6[%get3A_350] {strides = array<i32>} : memref<8224xf32, #tpu.memory_space<vmem>>, vector<16xf32>,
      %ge3A_352 = arith.cmpf oge, %get3A_351, %bitcast_convert_type3A_287 : vector<16xf32>
      %all_reduce_population_count3A_353 = tpu.all_reduce %ge3A_352 {dim = 0 : i64, kind = #tpu.reduction_kind<sum>} : vector<16xi1> -> vector<16xi32>
      %add3A_354 = arith.addi %add3A_349, %all_reduce_population_count3A_353 : vector<16xi32>
      %get3A_355 = arith.constant 224 : index
      %get3A_356 = tpu.vector_load %arg6[%get3A_355] {strides = array<i32>} : memref<8224xf32, #tpu.memory_space<vmem>>, vector<16xf32>,
      %ge3A_357 = arith.cmpf oge, %get3A_356, %bitcast_convert_type3A_287 : vector<16xf32>
      %all_reduce_population_count3A_358 = tpu.all_reduce %ge3A_357 {dim = 0 : i64, kind = #tpu.reduction_kind<sum>} : vector<16xi1> -> vector<16xi32>
      %add3A_359 = arith.addi %add3A_354, %all_reduce_population_count3A_358 : vector<16xi32>
      %get3A_360 = arith.constant 240 : index
      %get3A_361 = tpu.vector_load %arg6[%get3A_360] {strides = array<i32>} : memref<8224xf32, #tpu.memory_space<vmem>>, vector<16xf32>,
      %ge3A_362 = arith.cmpf oge, %get3A_361, %bitcast_convert_type3A_287 : vector<16xf32>
      %all_reduce_population_count3A_363 = tpu.all_reduce %ge3A_362 {dim = 0 : i64, kind = #tpu.reduction_kind<sum>} : vector<16xi1> -> vector<16xi32>
      %add3A_364 = arith.addi %add3A_359, %all_reduce_population_count3A_363 : vector<16xi32>
      %get3A_365 = arith.constant 256 : index
      %get3A_366 = tpu.vector_load %arg6[%get3A_365] {strides = array<i32>} : memref<8224xf32, #tpu.memory_space<vmem>>, vector<16xf32>,
      %ge3A_367 = arith.cmpf oge, %get3A_366, %bitcast_convert_type3A_287 : vector<16xf32>
      %all_reduce_population_count3A_368 = tpu.all_reduce %ge3A_367 {dim = 0 : i64, kind = #tpu.reduction_kind<sum>} : vector<16xi1> -> vector<16xi32>
      %add3A_369 = arith.addi %add3A_364, %all_reduce_population_count3A_368 : vector<16xi32>
      %get3A_370 = arith.constant 272 : index
      %get3A_371 = tpu.vector_load %arg6[%get3A_370] {strides = array<i32>} : memref<8224xf32, #tpu.memory_space<vmem>>, vector<16xf32>,
      %ge3A_372 = arith.cmpf oge, %get3A_371, %bitcast_convert_type3A_287 : vector<16xf32>
      %all_reduce_population_count3A_373 = tpu.all_reduce %ge3A_372 {dim = 0 : i64, kind = #tpu.reduction_kind<sum>} : vector<16xi1> -> vector<16xi32>
      %add3A_374 = arith.addi %add3A_369, %all_reduce_population_count3A_373 : vector<16xi32>
      %get3A_375 = arith.constant 288 : index
      %get3A_376 = tpu.vector_load %arg6[%get3A_375] {strides = array<i32>} : memref<8224xf32, #tpu.memory_space<vmem>>, vector<16xf32>,
      %ge3A_377 = arith.cmpf oge, %get3A_376, %bitcast_convert_type3A_287 : vector<16xf32>
      %all_reduce_population_count3A_378 = tpu.all_reduce %ge3A_377 {dim = 0 : i64, kind = #tpu.reduction_kind<sum>} : vector<16xi1> -> vector<16xi32>
      %add3A_379 = arith.addi %add3A_374, %all_reduce_population_count3A_378 : vector<16xi32>
      %get3A_380 = arith.constant 304 : index
      %get3A_381 = tpu.vector_load %arg6[%get3A_380] {strides = array<i32>} : memref<8224xf32, #tpu.memory_space<vmem>>, vector<16xf32>,
      %ge3A_382 = arith.cmpf oge, %get3A_381, %bitcast_convert_type3A_287 : vector<16xf32>
      %all_reduce_population_count3A_383 = tpu.all_reduce %ge3A_382 {dim = 0 : i64, kind = #tpu.reduction_kind<sum>} : vector<16xi1> -> vector<16xi32>
      %add3A_384 = arith.addi %add3A_379, %all_reduce_population_count3A_383 : vector<16xi32>
      %get3A_385 = arith.constant 320 : index
      %get3A_386 = tpu.vector_load %arg6[%get3A_385] {strides = array<i32>} : memref<8224xf32, #tpu.memory_space<vmem>>, vector<16xf32>,
      %ge3A_387 = arith.cmpf oge, %get3A_386, %bitcast_convert_type3A_287 : vector<16xf32>
      %all_reduce_population_count3A_388 = tpu.all_reduce %ge3A_387 {dim = 0 : i64, kind = #tpu.reduction_kind<sum>} : vector<16xi1> -> vector<16xi32>
      %add3A_389 = arith.addi %add3A_384, %all_reduce_population_count3A_388 : vector<16xi32>
      %get3A_390 = arith.constant 336 : index
      %get3A_391 = tpu.vector_load %arg6[%get3A_390] {strides = array<i32>} : memref<8224xf32, #tpu.memory_space<vmem>>, vector<16xf32>,
      %ge3A_392 = arith.cmpf oge, %get3A_391, %bitcast_convert_type3A_287 : vector<16xf32>
      %all_reduce_population_count3A_393 = tpu.all_reduce %ge3A_392 {dim = 0 : i64, kind = #tpu.reduction_kind<sum>} : vector<16xi1> -> vector<16xi32>
      %add3A_394 = arith.addi %add3A_389, %all_reduce_population_count3A_393 : vector<16xi32>
      %get3A_395 = arith.constant 352 : index
      %get3A_396 = tpu.vector_load %arg6[%get3A_395] {strides = array<i32>} : memref<8224xf32, #tpu.memory_space<vmem>>, vector<16xf32>,
      %ge3A_397 = arith.cmpf oge, %get3A_396, %bitcast_convert_type3A_287 : vector<16xf32>
      %all_reduce_population_count3A_398 = tpu.all_reduce %ge3A_397 {dim = 0 : i64, kind = #tpu.reduction_kind<sum>} : vector<16xi1> -> vector<16xi32>
      %add3A_399 = arith.addi %add3A_394, %all_reduce_population_count3A_398 : vector<16xi32>
      %get3A_400 = arith.constant 368 : index
      %get3A_401 = tpu.vector_load %arg6[%get3A_400] {strides = array<i32>} : memref<8224xf32, #tpu.memory_space<vmem>>, vector<16xf32>,
      %ge3A_402 = arith.cmpf oge, %get3A_401, %bitcast_convert_type3A_287 : vector<16xf32>
      %all_reduce_population_count3A_403 = tpu.all_reduce %ge3A_402 {dim = 0 : i64, kind = #tpu.reduction_kind<sum>} : vector<16xi1> -> vector<16xi32>
      %add3A_404 = arith.addi %add3A_399, %all_reduce_population_count3A_403 : vector<16xi32>
      %get3A_405 = arith.constant 384 : index
      %get3A_406 = tpu.vector_load %arg6[%get3A_405] {strides = array<i32>} : memref<8224xf32, #tpu.memory_space<vmem>>, vector<16xf32>,
      %ge3A_407 = arith.cmpf oge, %get3A_406, %bitcast_convert_type3A_287 : vector<16xf32>
      %all_reduce_population_count3A_408 = tpu.all_reduce %ge3A_407 {dim = 0 : i64, kind = #tpu.reduction_kind<sum>} : vector<16xi1> -> vector<16xi32>
      %add3A_409 = arith.addi %add3A_404, %all_reduce_population_count3A_408 : vector<16xi32>
      %get3A_410 = arith.constant 400 : index
      %get3A_411 = tpu.vector_load %arg6[%get3A_410] {strides = array<i32>} : memref<8224xf32, #tpu.memory_space<vmem>>, vector<16xf32>,
      %ge3A_412 = arith.cmpf oge, %get3A_411, %bitcast_convert_type3A_287 : vector<16xf32>
      %all_reduce_population_count3A_413 = tpu.all_reduce %ge3A_412 {dim = 0 : i64, kind = #tpu.reduction_kind<sum>} : vector<16xi1> -> vector<16xi32>
      %add3A_414 = arith.addi %add3A_409, %all_reduce_population_count3A_413 : vector<16xi32>
      %get3A_415 = arith.constant 416 : index
      %get3A_416 = tpu.vector_load %arg6[%get3A_415] {strides = array<i32>} : memref<8224xf32, #tpu.memory_space<vmem>>, vector<16xf32>,
      %ge3A_417 = arith.cmpf oge, %get3A_416, %bitcast_convert_type3A_287 : vector<16xf32>
      %all_reduce_population_count3A_418 = tpu.all_reduce %ge3A_417 {dim = 0 : i64, kind = #tpu.reduction_kind<sum>} : vector<16xi1> -> vector<16xi32>
      %add3A_419 = arith.addi %add3A_414, %all_reduce_population_count3A_418 : vector<16xi32>
      %get3A_420 = arith.constant 432 : index
      %get3A_421 = tpu.vector_load %arg6[%get3A_420] {strides = array<i32>} : memref<8224xf32, #tpu.memory_space<vmem>>, vector<16xf32>,
      %ge3A_422 = arith.cmpf oge, %get3A_421, %bitcast_convert_type3A_287 : vector<16xf32>
      %all_reduce_population_count3A_423 = tpu.all_reduce %ge3A_422 {dim = 0 : i64, kind = #tpu.reduction_kind<sum>} : vector<16xi1> -> vector<16xi32>
      %add3A_424 = arith.addi %add3A_419, %all_reduce_population_count3A_423 : vector<16xi32>
      %get3A_425 = arith.constant 448 : index
      %get3A_426 = tpu.vector_load %arg6[%get3A_425] {strides = array<i32>} : memref<8224xf32, #tpu.memory_space<vmem>>, vector<16xf32>,
      %ge3A_427 = arith.cmpf oge, %get3A_426, %bitcast_convert_type3A_287 : vector<16xf32>
      %all_reduce_population_count3A_428 = tpu.all_reduce %ge3A_427 {dim = 0 : i64, kind = #tpu.reduction_kind<sum>} : vector<16xi1> -> vector<16xi32>
      %add3A_429 = arith.addi %add3A_424, %all_reduce_population_count3A_428 : vector<16xi32>
      %get3A_430 = arith.constant 464 : index
      %get3A_431 = tpu.vector_load %arg6[%get3A_430] {strides = array<i32>} : memref<8224xf32, #tpu.memory_space<vmem>>, vector<16xf32>,
      %ge3A_432 = arith.cmpf oge, %get3A_431, %bitcast_convert_type3A_287 : vector<16xf32>
      %all_reduce_population_count3A_433 = tpu.all_reduce %ge3A_432 {dim = 0 : i64, kind = #tpu.reduction_kind<sum>} : vector<16xi1> -> vector<16xi32>
      %add3A_434 = arith.addi %add3A_429, %all_reduce_population_count3A_433 : vector<16xi32>
      %get3A_435 = arith.constant 480 : index
      %get3A_436 = tpu.vector_load %arg6[%get3A_435] {strides = array<i32>} : memref<8224xf32, #tpu.memory_space<vmem>>, vector<16xf32>,
      %ge3A_437 = arith.cmpf oge, %get3A_436, %bitcast_convert_type3A_287 : vector<16xf32>
      %all_reduce_population_count3A_438 = tpu.all_reduce %ge3A_437 {dim = 0 : i64, kind = #tpu.reduction_kind<sum>} : vector<16xi1> -> vector<16xi32>
      %add3A_439 = arith.addi %add3A_434, %all_reduce_population_count3A_438 : vector<16xi32>
      %get3A_440 = arith.constant 496 : index
      %get3A_441 = tpu.vector_load %arg6[%get3A_440] {strides = array<i32>} : memref<8224xf32, #tpu.memory_space<vmem>>, vector<16xf32>,
      %ge3A_442 = arith.cmpf oge, %get3A_441, %bitcast_convert_type3A_287 : vector<16xf32>
      %all_reduce_population_count3A_443 = tpu.all_reduce %ge3A_442 {dim = 0 : i64, kind = #tpu.reduction_kind<sum>} : vector<16xi1> -> vector<16xi32>
      %add3A_444 = arith.addi %add3A_439, %all_reduce_population_count3A_443 : vector<16xi32>
      %while3A = arith.constant 32 : i32
      %while3A_445 = arith.subi %max3A_253, %while3A : i32
      %while3A_446 = arith.addi %while3A, %while3A_445 : i32
      %while3A_447 = arith.constant 1 : i32
      %while3A_448 = arith.divsi %while3A_445, %while3A_447 : i32
      %while3A_449 = arith.muli %while3A_448, %while3A_447 : i32
      %while3A_450 = arith.addi %while3A, %while3A_449 : i32
      %while3A_451 = arith.constant 1 : i32
      %while3A_452 = scf.for %while3A_457 = %while3A to %while3A_450 step %while3A_451 iter_args(%while3A_458 = %add3A_444) -> (vector<16xi32>)  : i32 {
        %mul3A_459 = arith.constant 16 : i32
        %mul3A_460 = arith.muli %while3A_457, %mul3A_459 : i32
        %get3A_461 = arith.index_cast %mul3A_460 : i32 to index
        %get3A_462 = tpu.vector_load %arg6[%get3A_461] {strides = array<i32>} : memref<8224xf32, #tpu.memory_space<vmem>>, vector<16xf32>,
        %ge3A_463 = arith.cmpf oge, %get3A_462, %bitcast_convert_type3A_287 : vector<16xf32>
        %all_reduce_population_count3A_464 = tpu.all_reduce %ge3A_463 {dim = 0 : i64, kind = #tpu.reduction_kind<sum>} : vector<16xi1> -> vector<16xi32>
        %add3A_465 = arith.addi %while3A_458, %all_reduce_population_count3A_464 : vector<16xi32>
        scf.yield %add3A_465 : vector<16xi32>
      }
      %while3A_453 = arith.constant 1 : i32
      %while3A_454 = scf.for %while3A_457 = %while3A_450 to %while3A_446 step %while3A_453 iter_args(%while3A_458 = %while3A_452) -> (vector<16xi32>)  : i32 {
        %mul3A_459 = arith.constant 16 : i32
        %mul3A_460 = arith.muli %while3A_457, %mul3A_459 : i32
        %get3A_461 = arith.index_cast %mul3A_460 : i32 to index
        %get3A_462 = tpu.vector_load %arg6[%get3A_461] {strides = array<i32>} : memref<8224xf32, #tpu.memory_space<vmem>>, vector<16xf32>,
        %ge3A_463 = arith.cmpf oge, %get3A_462, %bitcast_convert_type3A_287 : vector<16xf32>
        %all_reduce_population_count3A_464 = tpu.all_reduce %ge3A_463 {dim = 0 : i64, kind = #tpu.reduction_kind<sum>} : vector<16xi1> -> vector<16xi32>
        %add3A_465 = arith.addi %while3A_458, %all_reduce_population_count3A_464 : vector<16xi32>
        scf.yield %add3A_465 : vector<16xi32>
      }
      %ge3A_455 = arith.cmpi sge, %while3A_454, %broadcast_in_dim3A_9 : vector<16xi32>
      %select_n3A_456 = arith.select %ge3A_455, %add3A_279, %scan3A_275 : vector<16xi1>, vector<16xi32>
      scf.yield %select_n3A_456 : vector<16xi32>
    }
    %scan3A_259 = arith.constant 21 : i32
    %broadcast_in_dim3A_260 = arith.constant 2147483647 : i32
    %broadcast_in_dim3A_261 = vector.broadcast %broadcast_in_dim3A_260 : i32 to vector<16xi32>
    %shift_right_arithmetic3A_262 = arith.constant 31 : i32
    %shift_right_arithmetic3A_263 = vector.broadcast %shift_right_arithmetic3A_262 : i32 to vector<16xi32>
    %shift_right_arithmetic3A_264 = arith.shrsi %scan3A_258, %shift_right_arithmetic3A_263 : vector<16xi32>
    %and3A_265 = arith.andi %shift_right_arithmetic3A_264, %broadcast_in_dim3A_261 : vector<16xi32>
    %xor3A_266 = arith.xori %scan3A_258, %and3A_265 : vector<16xi32>
    %bitcast_convert_type3A_267 = tpu.bitcast %xor3A_266 : vector<16xi32> -> vector<16xf32>
    %scan3A_268 = arith.constant 0 : i32
    %scan3A_269 = arith.constant 0 : i32
    %scan3A_270 = arith.constant 64 : i32
    %scan3A_271 = arith.addi %scan3A_269, %scan3A_270 : i32
    %scan3A_272 = arith.constant 1 : i32
    scf.for %scan3A_274 = %scan3A_269 to %scan3A_271 step %scan3A_272  : i32 {
      %mul3A_275 = arith.constant 8 : i32
      %mul3A_276 = arith.muli %scan3A_274, %mul3A_275 : i32
      %add3A_277 = arith.constant 0 : i32
      %add3A_278 = arith.addi %mul3A_276, %add3A_277 : i32
      %mul3A_279 = arith.constant 16 : i32
      %mul3A_280 = arith.muli %add3A_278, %mul3A_279 : i32
      %get3A = arith.constant 0 : i32
      %get3A_281 = arith.index_cast %get3A : i32 to index
      %get3A_282 = arith.index_cast %mul3A_280 : i32 to index
      %get3A_283 = tpu.vector_load %arg4[%get3A_281, %get3A_282] {strides = array<i32>} : memref<2x8192xf32, #tpu.memory_space<vmem>>, vector<16xf32>,
      %ge3A = arith.cmpf oge, %get3A_283, %bitcast_convert_type3A_215 : vector<16xf32>
      %select_n3A_284 = arith.select %ge3A, %get3A_283, %broadcast_in_dim3A_7 : vector<16xi1>, vector<16xf32>
      %swap3A_285 = arith.constant 0 : i32
      %swap3A_286 = arith.index_cast %swap3A_285 : i32 to index
      %swap3A_287 = arith.index_cast %mul3A_280 : i32 to index
      %swap3A_288 = tpu.vector_load %arg7[%swap3A_286, %swap3A_287] {strides = array<i32>} : memref<2x8192xf32, #tpu.memory_space<vmem>>, vector<16xf32>,
      tpu.vector_store %arg7[%swap3A_286, %swap3A_287], %select_n3A_284 {strides = array<i32>} : memref<2x8192xf32, #tpu.memory_space<vmem>>, vector<16xf32>,
      %get3A_289 = arith.constant 1 : i32
      %get3A_290 = arith.index_cast %get3A_289 : i32 to index
      %get3A_291 = arith.index_cast %mul3A_280 : i32 to index
      %get3A_292 = tpu.vector_load %arg4[%get3A_290, %get3A_291] {strides = array<i32>} : memref<2x8192xf32, #tpu.memory_space<vmem>>, vector<16xf32>,
      %ge3A_293 = arith.cmpf oge, %get3A_292, %bitcast_convert_type3A_267 : vector<16xf32>
      %select_n3A_294 = arith.select %ge3A_293, %get3A_292, %broadcast_in_dim3A_7 : vector<16xi1>, vector<16xf32>
      %swap3A_295 = arith.constant 1 : i32
      %swap3A_296 = arith.index_cast %swap3A_295 : i32 to index
      %swap3A_297 = arith.index_cast %mul3A_280 : i32 to index
      %swap3A_298 = tpu.vector_load %arg7[%swap3A_296, %swap3A_297] {strides = array<i32>} : memref<2x8192xf32, #tpu.memory_space<vmem>>, vector<16xf32>,
      tpu.vector_store %arg7[%swap3A_296, %swap3A_297], %select_n3A_294 {strides = array<i32>} : memref<2x8192xf32, #tpu.memory_space<vmem>>, vector<16xf32>,
      %mul3A_299 = arith.constant 8 : i32
      %mul3A_300 = arith.muli %scan3A_274, %mul3A_299 : i32
      %add3A_301 = arith.constant 1 : i32
      %add3A_302 = arith.addi %mul3A_300, %add3A_301 : i32
      %mul3A_303 = arith.constant 16 : i32
      %mul3A_304 = arith.muli %add3A_302, %mul3A_303 : i32
      %get3A_305 = arith.constant 0 : i32
      %get3A_306 = arith.index_cast %get3A_305 : i32 to index
      %get3A_307 = arith.index_cast %mul3A_304 : i32 to index
      %get3A_308 = tpu.vector_load %arg4[%get3A_306, %get3A_307] {strides = array<i32>} : memref<2x8192xf32, #tpu.memory_space<vmem>>, vector<16xf32>,
      %ge3A_309 = arith.cmpf oge, %get3A_308, %bitcast_convert_type3A_215 : vector<16xf32>
      %select_n3A_310 = arith.select %ge3A_309, %get3A_308, %broadcast_in_dim3A_7 : vector<16xi1>, vector<16xf32>
      %swap3A_311 = arith.constant 0 : i32
      %swap3A_312 = arith.index_cast %swap3A_311 : i32 to index
      %swap3A_313 = arith.index_cast %mul3A_304 : i32 to index
      %swap3A_314 = tpu.vector_load %arg7[%swap3A_312, %swap3A_313] {strides = array<i32>} : memref<2x8192xf32, #tpu.memory_space<vmem>>, vector<16xf32>,
      tpu.vector_store %arg7[%swap3A_312, %swap3A_313], %select_n3A_310 {strides = array<i32>} : memref<2x8192xf32, #tpu.memory_space<vmem>>, vector<16xf32>,
      %get3A_315 = arith.constant 1 : i32
      %get3A_316 = arith.index_cast %get3A_315 : i32 to index
      %get3A_317 = arith.index_cast %mul3A_304 : i32 to index
      %get3A_318 = tpu.vector_load %arg4[%get3A_316, %get3A_317] {strides = array<i32>} : memref<2x8192xf32, #tpu.memory_space<vmem>>, vector<16xf32>,
      %ge3A_319 = arith.cmpf oge, %get3A_318, %bitcast_convert_type3A_267 : vector<16xf32>
      %select_n3A_320 = arith.select %ge3A_319, %get3A_318, %broadcast_in_dim3A_7 : vector<16xi1>, vector<16xf32>
      %swap3A_321 = arith.constant 1 : i32
      %swap3A_322 = arith.index_cast %swap3A_321 : i32 to index
      %swap3A_323 = arith.index_cast %mul3A_304 : i32 to index
      %swap3A_324 = tpu.vector_load %arg7[%swap3A_322, %swap3A_323] {strides = array<i32>} : memref<2x8192xf32, #tpu.memory_space<vmem>>, vector<16xf32>,
      tpu.vector_store %arg7[%swap3A_322, %swap3A_323], %select_n3A_320 {strides = array<i32>} : memref<2x8192xf32, #tpu.memory_space<vmem>>, vector<16xf32>,
      %mul3A_325 = arith.constant 8 : i32
      %mul3A_326 = arith.muli %scan3A_274, %mul3A_325 : i32
      %add3A_327 = arith.constant 2 : i32
      %add3A_328 = arith.addi %mul3A_326, %add3A_327 : i32
      %mul3A_329 = arith.constant 16 : i32
      %mul3A_330 = arith.muli %add3A_328, %mul3A_329 : i32
      %get3A_331 = arith.constant 0 : i32
      %get3A_332 = arith.index_cast %get3A_331 : i32 to index
      %get3A_333 = arith.index_cast %mul3A_330 : i32 to index
      %get3A_334 = tpu.vector_load %arg4[%get3A_332, %get3A_333] {strides = array<i32>} : memref<2x8192xf32, #tpu.memory_space<vmem>>, vector<16xf32>,
      %ge3A_335 = arith.cmpf oge, %get3A_334, %bitcast_convert_type3A_215 : vector<16xf32>
      %select_n3A_336 = arith.select %ge3A_335, %get3A_334, %broadcast_in_dim3A_7 : vector<16xi1>, vector<16xf32>
      %swap3A_337 = arith.constant 0 : i32
      %swap3A_338 = arith.index_cast %swap3A_337 : i32 to index
      %swap3A_339 = arith.index_cast %mul3A_330 : i32 to index
      %swap3A_340 = tpu.vector_load %arg7[%swap3A_338, %swap3A_339] {strides = array<i32>} : memref<2x8192xf32, #tpu.memory_space<vmem>>, vector<16xf32>,
      tpu.vector_store %arg7[%swap3A_338, %swap3A_339], %select_n3A_336 {strides = array<i32>} : memref<2x8192xf32, #tpu.memory_space<vmem>>, vector<16xf32>,
      %get3A_341 = arith.constant 1 : i32
      %get3A_342 = arith.index_cast %get3A_341 : i32 to index
      %get3A_343 = arith.index_cast %mul3A_330 : i32 to index
      %get3A_344 = tpu.vector_load %arg4[%get3A_342, %get3A_343] {strides = array<i32>} : memref<2x8192xf32, #tpu.memory_space<vmem>>, vector<16xf32>,
      %ge3A_345 = arith.cmpf oge, %get3A_344, %bitcast_convert_type3A_267 : vector<16xf32>
      %select_n3A_346 = arith.select %ge3A_345, %get3A_344, %broadcast_in_dim3A_7 : vector<16xi1>, vector<16xf32>
      %swap3A_347 = arith.constant 1 : i32
      %swap3A_348 = arith.index_cast %swap3A_347 : i32 to index
      %swap3A_349 = arith.index_cast %mul3A_330 : i32 to index
      %swap3A_350 = tpu.vector_load %arg7[%swap3A_348, %swap3A_349] {strides = array<i32>} : memref<2x8192xf32, #tpu.memory_space<vmem>>, vector<16xf32>,
      tpu.vector_store %arg7[%swap3A_348, %swap3A_349], %select_n3A_346 {strides = array<i32>} : memref<2x8192xf32, #tpu.memory_space<vmem>>, vector<16xf32>,
      %mul3A_351 = arith.constant 8 : i32
      %mul3A_352 = arith.muli %scan3A_274, %mul3A_351 : i32
      %add3A_353 = arith.constant 3 : i32
      %add3A_354 = arith.addi %mul3A_352, %add3A_353 : i32
      %mul3A_355 = arith.constant 16 : i32
      %mul3A_356 = arith.muli %add3A_354, %mul3A_355 : i32
      %get3A_357 = arith.constant 0 : i32
      %get3A_358 = arith.index_cast %get3A_357 : i32 to index
      %get3A_359 = arith.index_cast %mul3A_356 : i32 to index
      %get3A_360 = tpu.vector_load %arg4[%get3A_358, %get3A_359] {strides = array<i32>} : memref<2x8192xf32, #tpu.memory_space<vmem>>, vector<16xf32>,
      %ge3A_361 = arith.cmpf oge, %get3A_360, %bitcast_convert_type3A_215 : vector<16xf32>
      %select_n3A_362 = arith.select %ge3A_361, %get3A_360, %broadcast_in_dim3A_7 : vector<16xi1>, vector<16xf32>
      %swap3A_363 = arith.constant 0 : i32
      %swap3A_364 = arith.index_cast %swap3A_363 : i32 to index
      %swap3A_365 = arith.index_cast %mul3A_356 : i32 to index
      %swap3A_366 = tpu.vector_load %arg7[%swap3A_364, %swap3A_365] {strides = array<i32>} : memref<2x8192xf32, #tpu.memory_space<vmem>>, vector<16xf32>,
      tpu.vector_store %arg7[%swap3A_364, %swap3A_365], %select_n3A_362 {strides = array<i32>} : memref<2x8192xf32, #tpu.memory_space<vmem>>, vector<16xf32>,
      %get3A_367 = arith.constant 1 : i32
      %get3A_368 = arith.index_cast %get3A_367 : i32 to index
      %get3A_369 = arith.index_cast %mul3A_356 : i32 to index
      %get3A_370 = tpu.vector_load %arg4[%get3A_368, %get3A_369] {strides = array<i32>} : memref<2x8192xf32, #tpu.memory_space<vmem>>, vector<16xf32>,
      %ge3A_371 = arith.cmpf oge, %get3A_370, %bitcast_convert_type3A_267 : vector<16xf32>
      %select_n3A_372 = arith.select %ge3A_371, %get3A_370, %broadcast_in_dim3A_7 : vector<16xi1>, vector<16xf32>
      %swap3A_373 = arith.constant 1 : i32
      %swap3A_374 = arith.index_cast %swap3A_373 : i32 to index
      %swap3A_375 = arith.index_cast %mul3A_356 : i32 to index
      %swap3A_376 = tpu.vector_load %arg7[%swap3A_374, %swap3A_375] {strides = array<i32>} : memref<2x8192xf32, #tpu.memory_space<vmem>>, vector<16xf32>,
      tpu.vector_store %arg7[%swap3A_374, %swap3A_375], %select_n3A_372 {strides = array<i32>} : memref<2x8192xf32, #tpu.memory_space<vmem>>, vector<16xf32>,
      %mul3A_377 = arith.constant 8 : i32
      %mul3A_378 = arith.muli %scan3A_274, %mul3A_377 : i32
      %add3A_379 = arith.constant 4 : i32
      %add3A_380 = arith.addi %mul3A_378, %add3A_379 : i32
      %mul3A_381 = arith.constant 16 : i32
      %mul3A_382 = arith.muli %add3A_380, %mul3A_381 : i32
      %get3A_383 = arith.constant 0 : i32
      %get3A_384 = arith.index_cast %get3A_383 : i32 to index
      %get3A_385 = arith.index_cast %mul3A_382 : i32 to index
      %get3A_386 = tpu.vector_load %arg4[%get3A_384, %get3A_385] {strides = array<i32>} : memref<2x8192xf32, #tpu.memory_space<vmem>>, vector<16xf32>,
      %ge3A_387 = arith.cmpf oge, %get3A_386, %bitcast_convert_type3A_215 : vector<16xf32>
      %select_n3A_388 = arith.select %ge3A_387, %get3A_386, %broadcast_in_dim3A_7 : vector<16xi1>, vector<16xf32>
      %swap3A_389 = arith.constant 0 : i32
      %swap3A_390 = arith.index_cast %swap3A_389 : i32 to index
      %swap3A_391 = arith.index_cast %mul3A_382 : i32 to index
      %swap3A_392 = tpu.vector_load %arg7[%swap3A_390, %swap3A_391] {strides = array<i32>} : memref<2x8192xf32, #tpu.memory_space<vmem>>, vector<16xf32>,
      tpu.vector_store %arg7[%swap3A_390, %swap3A_391], %select_n3A_388 {strides = array<i32>} : memref<2x8192xf32, #tpu.memory_space<vmem>>, vector<16xf32>,
      %get3A_393 = arith.constant 1 : i32
      %get3A_394 = arith.index_cast %get3A_393 : i32 to index
      %get3A_395 = arith.index_cast %mul3A_382 : i32 to index
      %get3A_396 = tpu.vector_load %arg4[%get3A_394, %get3A_395] {strides = array<i32>} : memref<2x8192xf32, #tpu.memory_space<vmem>>, vector<16xf32>,
      %ge3A_397 = arith.cmpf oge, %get3A_396, %bitcast_convert_type3A_267 : vector<16xf32>
      %select_n3A_398 = arith.select %ge3A_397, %get3A_396, %broadcast_in_dim3A_7 : vector<16xi1>, vector<16xf32>
      %swap3A_399 = arith.constant 1 : i32
      %swap3A_400 = arith.index_cast %swap3A_399 : i32 to index
      %swap3A_401 = arith.index_cast %mul3A_382 : i32 to index
      %swap3A_402 = tpu.vector_load %arg7[%swap3A_400, %swap3A_401] {strides = array<i32>} : memref<2x8192xf32, #tpu.memory_space<vmem>>, vector<16xf32>,
      tpu.vector_store %arg7[%swap3A_400, %swap3A_401], %select_n3A_398 {strides = array<i32>} : memref<2x8192xf32, #tpu.memory_space<vmem>>, vector<16xf32>,
      %mul3A_403 = arith.constant 8 : i32
      %mul3A_404 = arith.muli %scan3A_274, %mul3A_403 : i32
      %add3A_405 = arith.constant 5 : i32
      %add3A_406 = arith.addi %mul3A_404, %add3A_405 : i32
      %mul3A_407 = arith.constant 16 : i32
      %mul3A_408 = arith.muli %add3A_406, %mul3A_407 : i32
      %get3A_409 = arith.constant 0 : i32
      %get3A_410 = arith.index_cast %get3A_409 : i32 to index
      %get3A_411 = arith.index_cast %mul3A_408 : i32 to index
      %get3A_412 = tpu.vector_load %arg4[%get3A_410, %get3A_411] {strides = array<i32>} : memref<2x8192xf32, #tpu.memory_space<vmem>>, vector<16xf32>,
      %ge3A_413 = arith.cmpf oge, %get3A_412, %bitcast_convert_type3A_215 : vector<16xf32>
      %select_n3A_414 = arith.select %ge3A_413, %get3A_412, %broadcast_in_dim3A_7 : vector<16xi1>, vector<16xf32>
      %swap3A_415 = arith.constant 0 : i32
      %swap3A_416 = arith.index_cast %swap3A_415 : i32 to index
      %swap3A_417 = arith.index_cast %mul3A_408 : i32 to index
      %swap3A_418 = tpu.vector_load %arg7[%swap3A_416, %swap3A_417] {strides = array<i32>} : memref<2x8192xf32, #tpu.memory_space<vmem>>, vector<16xf32>,
      tpu.vector_store %arg7[%swap3A_416, %swap3A_417], %select_n3A_414 {strides = array<i32>} : memref<2x8192xf32, #tpu.memory_space<vmem>>, vector<16xf32>,
      %get3A_419 = arith.constant 1 : i32
      %get3A_420 = arith.index_cast %get3A_419 : i32 to index
      %get3A_421 = arith.index_cast %mul3A_408 : i32 to index
      %get3A_422 = tpu.vector_load %arg4[%get3A_420, %get3A_421] {strides = array<i32>} : memref<2x8192xf32, #tpu.memory_space<vmem>>, vector<16xf32>,
      %ge3A_423 = arith.cmpf oge, %get3A_422, %bitcast_convert_type3A_267 : vector<16xf32>
      %select_n3A_424 = arith.select %ge3A_423, %get3A_422, %broadcast_in_dim3A_7 : vector<16xi1>, vector<16xf32>
      %swap3A_425 = arith.constant 1 : i32
      %swap3A_426 = arith.index_cast %swap3A_425 : i32 to index
      %swap3A_427 = arith.index_cast %mul3A_408 : i32 to index
      %swap3A_428 = tpu.vector_load %arg7[%swap3A_426, %swap3A_427] {strides = array<i32>} : memref<2x8192xf32, #tpu.memory_space<vmem>>, vector<16xf32>,
      tpu.vector_store %arg7[%swap3A_426, %swap3A_427], %select_n3A_424 {strides = array<i32>} : memref<2x8192xf32, #tpu.memory_space<vmem>>, vector<16xf32>,
      %mul3A_429 = arith.constant 8 : i32
      %mul3A_430 = arith.muli %scan3A_274, %mul3A_429 : i32
      %add3A_431 = arith.constant 6 : i32
      %add3A_432 = arith.addi %mul3A_430, %add3A_431 : i32
      %mul3A_433 = arith.constant 16 : i32
      %mul3A_434 = arith.muli %add3A_432, %mul3A_433 : i32
      %get3A_435 = arith.constant 0 : i32
      %get3A_436 = arith.index_cast %get3A_435 : i32 to index
      %get3A_437 = arith.index_cast %mul3A_434 : i32 to index
      %get3A_438 = tpu.vector_load %arg4[%get3A_436, %get3A_437] {strides = array<i32>} : memref<2x8192xf32, #tpu.memory_space<vmem>>, vector<16xf32>,
      %ge3A_439 = arith.cmpf oge, %get3A_438, %bitcast_convert_type3A_215 : vector<16xf32>
      %select_n3A_440 = arith.select %ge3A_439, %get3A_438, %broadcast_in_dim3A_7 : vector<16xi1>, vector<16xf32>
      %swap3A_441 = arith.constant 0 : i32
      %swap3A_442 = arith.index_cast %swap3A_441 : i32 to index
      %swap3A_443 = arith.index_cast %mul3A_434 : i32 to index
      %swap3A_444 = tpu.vector_load %arg7[%swap3A_442, %swap3A_443] {strides = array<i32>} : memref<2x8192xf32, #tpu.memory_space<vmem>>, vector<16xf32>,
      tpu.vector_store %arg7[%swap3A_442, %swap3A_443], %select_n3A_440 {strides = array<i32>} : memref<2x8192xf32, #tpu.memory_space<vmem>>, vector<16xf32>,
      %get3A_445 = arith.constant 1 : i32
      %get3A_446 = arith.index_cast %get3A_445 : i32 to index
      %get3A_447 = arith.index_cast %mul3A_434 : i32 to index
      %get3A_448 = tpu.vector_load %arg4[%get3A_446, %get3A_447] {strides = array<i32>} : memref<2x8192xf32, #tpu.memory_space<vmem>>, vector<16xf32>,
      %ge3A_449 = arith.cmpf oge, %get3A_448, %bitcast_convert_type3A_267 : vector<16xf32>
      %select_n3A_450 = arith.select %ge3A_449, %get3A_448, %broadcast_in_dim3A_7 : vector<16xi1>, vector<16xf32>
      %swap3A_451 = arith.constant 1 : i32
      %swap3A_452 = arith.index_cast %swap3A_451 : i32 to index
      %swap3A_453 = arith.index_cast %mul3A_434 : i32 to index
      %swap3A_454 = tpu.vector_load %arg7[%swap3A_452, %swap3A_453] {strides = array<i32>} : memref<2x8192xf32, #tpu.memory_space<vmem>>, vector<16xf32>,
      tpu.vector_store %arg7[%swap3A_452, %swap3A_453], %select_n3A_450 {strides = array<i32>} : memref<2x8192xf32, #tpu.memory_space<vmem>>, vector<16xf32>,
      %mul3A_455 = arith.constant 8 : i32
      %mul3A_456 = arith.muli %scan3A_274, %mul3A_455 : i32
      %add3A_457 = arith.constant 7 : i32
      %add3A_458 = arith.addi %mul3A_456, %add3A_457 : i32
      %mul3A_459 = arith.constant 16 : i32
      %mul3A_460 = arith.muli %add3A_458, %mul3A_459 : i32
      %get3A_461 = arith.constant 0 : i32
      %get3A_462 = arith.index_cast %get3A_461 : i32 to index
      %get3A_463 = arith.index_cast %mul3A_460 : i32 to index
      %get3A_464 = tpu.vector_load %arg4[%get3A_462, %get3A_463] {strides = array<i32>} : memref<2x8192xf32, #tpu.memory_space<vmem>>, vector<16xf32>,
      %ge3A_465 = arith.cmpf oge, %get3A_464, %bitcast_convert_type3A_215 : vector<16xf32>
      %select_n3A_466 = arith.select %ge3A_465, %get3A_464, %broadcast_in_dim3A_7 : vector<16xi1>, vector<16xf32>
      %swap3A_467 = arith.constant 0 : i32
      %swap3A_468 = arith.index_cast %swap3A_467 : i32 to index
      %swap3A_469 = arith.index_cast %mul3A_460 : i32 to index
      %swap3A_470 = tpu.vector_load %arg7[%swap3A_468, %swap3A_469] {strides = array<i32>} : memref<2x8192xf32, #tpu.memory_space<vmem>>, vector<16xf32>,
      tpu.vector_store %arg7[%swap3A_468, %swap3A_469], %select_n3A_466 {strides = array<i32>} : memref<2x8192xf32, #tpu.memory_space<vmem>>, vector<16xf32>,
      %get3A_471 = arith.constant 1 : i32
      %get3A_472 = arith.index_cast %get3A_471 : i32 to index
      %get3A_473 = arith.index_cast %mul3A_460 : i32 to index
      %get3A_474 = tpu.vector_load %arg4[%get3A_472, %get3A_473] {strides = array<i32>} : memref<2x8192xf32, #tpu.memory_space<vmem>>, vector<16xf32>,
      %ge3A_475 = arith.cmpf oge, %get3A_474, %bitcast_convert_type3A_267 : vector<16xf32>
      %select_n3A_476 = arith.select %ge3A_475, %get3A_474, %broadcast_in_dim3A_7 : vector<16xi1>, vector<16xf32>
      %swap3A_477 = arith.constant 1 : i32
      %swap3A_478 = arith.index_cast %swap3A_477 : i32 to index
      %swap3A_479 = arith.index_cast %mul3A_460 : i32 to index
      %swap3A_480 = tpu.vector_load %arg7[%swap3A_478, %swap3A_479] {strides = array<i32>} : memref<2x8192xf32, #tpu.memory_space<vmem>>, vector<16xf32>,
      tpu.vector_store %arg7[%swap3A_478, %swap3A_479], %select_n3A_476 {strides = array<i32>} : memref<2x8192xf32, #tpu.memory_space<vmem>>, vector<16xf32>,
    }
    %scan3A_273 = arith.constant 64 : i32
    "tpu.region"() ({
      %run_scoped3A = tpu.sem_alloc : memref<!tpu.dma_semaphore, #tpu.memory_space<semaphore_mem>>
      %dma_start3A = arith.constant 0 : i32
      %dma_start3A_274 = tpu.memref_slice %arg3[%mul3A_2, %dma_start3A] : memref<64x8192xf32, #tpu.memory_space<hbm>> -> memref<2x8192xf32, #tpu.memory_space<hbm>>
      %dma_start3A_275 = arith.constant 0 : i32
      %dma_start3A_276 = tpu.memref_slice %arg3[%mul3A_2, %dma_start3A_275] : memref<64x8192xf32, #tpu.memory_space<hbm>> -> memref<2x8192xf32, #tpu.memory_space<hbm>>
      tpu.enqueue_dma source(%arg7 : memref<2x8192xf32, #tpu.memory_space<vmem>>) target(%dma_start3A_276 : memref<2x8192xf32, #tpu.memory_space<hbm>>) target_semaphore(%run_scoped3A : memref<!tpu.dma_semaphore, #tpu.memory_space<semaphore_mem>>)
      %dma_wait3A = arith.constant 0 : i32
      %dma_wait3A_277 = tpu.memref_slice %arg3[%mul3A_2, %dma_wait3A] : memref<64x8192xf32, #tpu.memory_space<hbm>> -> memref<2x8192xf32, #tpu.memory_space<hbm>>
      %dma_wait3A_278 = arith.constant 0 : i32
      %dma_wait3A_279 = tpu.memref_slice %arg3[%mul3A_2, %dma_wait3A_278] : memref<64x8192xf32, #tpu.memory_space<hbm>> -> memref<2x8192xf32, #tpu.memory_space<hbm>>
      tpu.wait_dma2 semaphore(%run_scoped3A : memref<!tpu.dma_semaphore, #tpu.memory_space<semaphore_mem>>) src(%arg7 : memref<2x8192xf32, #tpu.memory_space<vmem>>) dst(%dma_wait3A_279 : memref<2x8192xf32, #tpu.memory_space<hbm>>)
      tpu.yield
    }) : () -> ()
    return
  }
}

</mosaic_0001>

<sc_bundles>
// kernel: kernel.3.cloned.1.call-start
scs
__scs_entry_jumppad:
0x0: {  	(pc) =	sbr.rel $0x88, $3  }
0x1: {  	(tag) =	ssettag $0x0;
	lr =	simm.s32 $0x1  }
0x2: {  	[smem:$0x3FA0] =	sst lr;
	_ =	strace $0xD0000000  }
0x3: {  	_ = 	snop  }
0x4: {  	_ = 	snop  }
0x5: {  	_ = 	snop  }
0x6: {  	_ = 	snop  }
0x7: {  	_ = 	snop  }
__scs_overlays_trampoline_lowered:
0x8: {  	[smem:$0x3FAF] =	sst s0  }
0x9: {  	[smem:$0x3FB0] =	sst s1  }
0xa: {  	[smem:$0x3FB1] =	sst s2  }
0xb: {  	[smem:$0x3FB2] =	sst s3  }
0xc: {  	[smem:$0x3FB3] =	sst s4  }
0xd: {  	[smem:$0x3FB4] =	sst s5  }
0xe: {  	[smem:$0x3FB5] =	sst s6  }
0xf: {  	[smem:$0x3FB6] =	sst s7  }
0x10: {  	[smem:$0x3FB7] =	sst s8  }
0x11: {  	[smem:$0x3FB8] =	sst s9;
	s0 =	simm.s32 @!p0 $0x0  }
0x12: {  	s1 =	sld [smem:$0x3F9E];
	s0 =	simm.s32 @p0 $0x1  }
0x13: {  	[smem:$0x3FB9] =	sst s0;
	s0 =	simm.s32 @!p1 $0x0  }
0x14: {  	s2 =	sld [smem:$0x3F9D];
	s0 =	simm.s32 @p1 $0x1  }
0x15: {  	[smem:$0x3FBA] =	sst s0;
	s0 =	simm.s32 @!p2 $0x0  }
0x16: {  	s3 =	sld [smem:$0x3FDB];
	s0 =	simm.s32 @p2 $0x1  }
0x17: {  	s4 =	simm.s32 $0x1BF5;
	[smem:$0x3FBC] =	sst s0  }
0x18: {  	s0 =	sld [smem:$0x3F9F];
	_ =	swait.ge [sflag:s4], $0x0  }
0x19: {  	s7 =	sld [smem:$0x3FA0]  }
0x1a: {  	s8 =	sadd.s32 $0xFFFFE003, lr  }
0x1b: {  	s9 =	sadd.s32 $0xFFFFFEF7, lr;
	s5 =	simm.s32 $0xFFFFFFFF;
	p2 =	slt.u32 s8, $0xFFFFF086  }
0x1c: {  	p1 =	slt.u32 s9, $0xF7A;
	s5 =	simm.s32 @!p2 $0x0  }
0x1d: {  	s5 =	simm.s32 @p1 $0x1;
	p0 =	seq.s32 s7, s2  }
0x1e: {  	s7 =	smul.u32 @!p0 $0xF7A, s2;
	p2 =	seq.s32 @!p0 s5, $0x0  }
0x1f: {  	s9 =	smul.u32 $0xF7A, s1;
	s8 =	simm.s32 @!p0 $0x1BF5;
	p2 =	por !p2, p0  }
0x20: {  	[sflag:s8] =	ssyncset.s32 @!p0 $0xFFFFF086;
	s6 =	sadd.s32 @!p0 s3, s7;
	s7 =	simm.s32 @!p0 $0x108  }
0x21: {  	s3 =	sadd.s32 s3, s9;
	s6 =	sadd.s32 @!p0 $0x88, s6;
	s7 =	simm.s32 @p2 $0x1082  }
0x22: {  	[simem:s7], [sflag:s8] =	dma.local @!p0 [hbm:s6], $0xF7A  }
0x23: {  	s9 =	sor.u32 $0xD0000000, s2;
	s6 =	simm.s32 $0x108;
	_ =	swait.ge @!p0 [sflag:s8], $0x0  }
0x24: {  	s3 =	sadd.s32 $0x88, s3;
	s6 =	simm.s32 @!p1 $0x1082;
	[sflag:s4] =	ssyncset.s32 $0xFFFFF086  }
0x25: {  	[simem:s6], [sflag:s4] =	dma.local [hbm:s3], $0xF7A  }
0x26: {  	[smem:$0x3FA0] =	sst s1;
	(tag) =	ssettag s2;
	_ =	strace s9  }
0x27: {  	s1 =	sld [smem:$0x3FB0]  }
0x28: {  	s2 =	sld [smem:$0x3FB1]  }
0x29: {  	s4 =	sld [smem:$0x3FB3]  }
0x2a: {  	p0 =	seq.s32 s5, $0x0;
	s5 =	sld [smem:$0x3FB4]  }
0x2b: {  	s6 =	sld [smem:$0x3FB5]  }
0x2c: {  	s7 =	sld [smem:$0x3FB6]  }
0x2d: {  	s3 =	simm.s32 $0x108;
	s8 =	sld [smem:$0x3FB7]  }
0x2e: {  	s3 =	simm.s32 @!p0 $0x1082;
	s9 =	sld [smem:$0x3FB8]  }
0x2f: {  	lr =	sadd.s32 s0, s3;
	s0 =	sld [smem:$0x3FAF]  }
0x30: {  	s3 =	sld [smem:$0x3FB2]  }
0x31: {  	[smem:$0x3FBB] =	sst s10  }
0x32: {  	s10 =	sld [smem:$0x3FB9];
	_ =	sdelay $0x3  }
0x33: {  	p0 =	seq.s32 s10, $0x1;
	s10 =	sld [smem:$0x3FBB];
	_ =	sdelay $0x3  }
0x34: {  	[smem:$0x3FBB] =	sst s10  }
0x35: {  	s10 =	sld [smem:$0x3FBA];
	_ =	sdelay $0x3  }
0x36: {  	p1 =	seq.s32 s10, $0x1;
	s10 =	sld [smem:$0x3FBB];
	_ =	sdelay $0x3  }
0x37: {  	[smem:$0x3FBB] =	sst s10  }
0x38: {  	s10 =	sld [smem:$0x3FBC]  }
0x39: {  	_ = 	snop;
	(pc) =	sbr.ind lr, $3  }
0x3a: {  	_ = 	snop  }
0x3b: {  	_ = 	snop  }
0x3c: {  	p2 =	seq.s32 s10, $0x1;
	s10 =	sld [smem:$0x3FBB]  }
0x3d: {  	_ =	shalt  }
0x3e: {  	_ =	shalt  }
0x3f: {  	_ =	shalt  }
0x40: {  	_ =	shalt  }
0x41: {  	_ =	shalt  }
0x42: {  	_ =	shalt  }
0x43: {  	_ =	shalt  }
0x44: {  	_ =	shalt  }
0x45: {  	_ =	shalt  }
0x46: {  	_ =	shalt  }
0x47: {  	_ =	shalt  }
0x48: {  	_ =	shalt  }
0x49: {  	_ =	shalt  }
0x4a: {  	_ =	shalt  }
0x4b: {  	_ =	shalt  }
0x4c: {  	_ =	shalt  }
0x4d: {  	_ =	shalt  }
0x4e: {  	_ =	shalt  }
0x4f: {  	_ =	shalt  }
0x50: {  	_ =	shalt  }
0x51: {  	_ =	shalt  }
0x52: {  	_ =	shalt  }
0x53: {  	_ =	shalt  }
0x54: {  	_ =	shalt  }
0x55: {  	_ =	shalt  }
0x56: {  	_ =	shalt  }
0x57: {  	_ =	shalt  }
0x58: {  	_ =	shalt  }
0x59: {  	_ =	shalt  }
0x5a: {  	_ =	shalt  }
0x5b: {  	_ =	shalt  }
0x5c: {  	_ =	shalt  }
0x5d: {  	_ =	shalt  }
0x5e: {  	_ =	shalt  }
0x5f: {  	_ =	shalt  }
0x60: {  	_ =	shalt  }
0x61: {  	_ =	shalt  }
0x62: {  	_ =	shalt  }
0x63: {  	_ =	shalt  }
0x64: {  	_ =	shalt  }
0x65: {  	_ =	shalt  }
0x66: {  	_ =	shalt  }
0x67: {  	_ =	shalt  }
0x68: {  	_ =	shalt  }
0x69: {  	_ =	shalt  }
0x6a: {  	_ =	shalt  }
0x6b: {  	_ =	shalt  }
0x6c: {  	_ =	shalt  }
0x6d: {  	_ =	shalt  }
0x6e: {  	_ =	shalt  }
0x6f: {  	_ =	shalt  }
0x70: {  	_ =	shalt  }
0x71: {  	_ =	shalt  }
0x72: {  	_ =	shalt  }
0x73: {  	_ =	shalt  }
0x74: {  	_ =	shalt  }
0x75: {  	_ =	shalt  }
0x76: {  	_ =	shalt  }
0x77: {  	_ =	shalt  }
0x78: {  	_ =	shalt  }
0x79: {  	_ =	shalt  }
0x7a: {  	_ =	shalt  }
0x7b: {  	_ =	shalt  }
0x7c: {  	_ =	shalt  }
0x7d: {  	_ =	shalt  }
0x7e: {  	_ =	shalt  }
0x7f: {  	_ =	shalt  }
0x80: {  	_ =	shalt  }
0x81: {  	_ =	shalt  }
0x82: {  	_ =	shalt  }
0x83: {  	_ =	shalt  }
0x84: {  	_ =	shalt  }
0x85: {  	_ =	shalt  }
0x86: {  	_ =	shalt  }
0x87: {  	_ =	shalt  }
.Lfunc_end0:
.L_simem_size_0:
called_computation_lowered:
.L_overlay_start_0:
0x88: {  	s2 =	sld [smem:$0x3FD9]  }
0x89: {  	s3 =	sld [smem:$0x3FFE];
	_ =	sdelay $0x1  }
0x8a: {  	s1 =	srdreg.scid  }
0x8b: {  	s0 =	sand.u32 $0x1, s1  }
0x8c: {  	s18 =	sshll.u32 s0, $0xA;
	s2 =	sadd.s32 s3, s2  }
0x8d: {  	s2 =	sadd.s32 s2, s18  }
0x8e: {  	[smem:$0x3FC7] =	sst s2  }
0x8f: {  	_ = 	snop  }
0x90: {  	s2 =	sld [smem:$0x3FC9]  }
0x91: {  	s19 =	sld [smem:$0x3FD0];
	(tm) =	ssettm $0x1  }
0x92: {  	s4 =	sld [smem:$0x3FFB];
	_ =	sdelay $0x3  }
0x93: {  	_ =	strace s4  }
0x94: {  	s4 =	sld [smem:$0x3FFC];
	_ =	sdelay $0x3  }
0x95: {  	_ =	strace s4  }
0x96: {  	s4 =	sld [smem:$0x3FFD];
	_ =	sdelay $0x3  }
0x97: {  	_ =	strace s4  }
0x98: {  	_ =	strace $0x8FFFFFFF  }
0x99: {  	s20 =	sld [smem:$0x3FDB];
	_ =	sdelay $0x1  }
0x9a: {  	s5 =	simm.s32 $_scs_section_size  }
0x9b: {  	s6 =	simm.s32 $_size__tile_overlayer_lowered;
	s7 =	simm.s32 $_tile_overlayer_lowered  }
0x9c: {  	s23 =	simm.s32 $0x1BFF;
	s22 =	sshll.u32 s7, $0x1;
	s4 =	sadd.s32 s5, s20  }
0x9d: {  	s8 =	simm.s32 $0x0;
	s21 =	sshll.u32 s6, $0x1;
	s6 =	sadd.s32 s22, s4  }
0x9e: {  	[timem:s8], [sflag:s23] =	dma.local [hbm:s6], s21  }
0x9f: {  	_ =	swait.ge [sflag:s23], s21  }
0xa0: {  	s5 =	ssub.s32 $0x0, s21;
	[sflag:s23] =	ssyncset.done $0x0  }
0xa1: {  	[sflag:s23] =	ssyncadd.s32 s5;
	_ =	sdelay $0x1  }
0xa2: {  	s24 =	simm.s32 $0x1B8B  }
0xa3: {  	_ =	swait.ge [sflag:s24], $0x1  }
0xa4: {  	[sflag:s24] =	ssyncset.done $0x0  }
0xa5: {  	s25 =	simm.s32 $0x1B8E;
	[sflag:s24] =	ssyncadd.s32 $0xFFFFFFFF  }
0xa6: {  	s26 =	simm.s32 $execute0_lowered;
	[smem:$0x3FD2] =	sst s25  }
0xa7: {  	s5 =	sshll.u32 s26, $0x1;
	_ =	strace $0x80000046;
	[dreg:$0x1] =	wrdreg $0xFFFFFFFF  }
0xa8: {  	s28 =	simm.s32 $_size_execute0_lowered;
	s4 =	sadd.s32 s4, s5;
	[dreg:$0x0] =	wrdreg $0x0  }
0xa9: {  	s5 =	sshll.u32 s28, $0x1;
	[dreg:$0x2] =	wrdreg s4  }
0xaa: {  	[dreg:$0x3] =	wrdreg s5  }
0xab: {  	[dreg:$0x4] =	wrdreg $0xC0  }
0xac: {  	_ =	task [dreg:s8], $0x5FFFF  }
0xad: {  	[dreg:$0x1] =	wrdreg $0xFFFFFFFF  }
0xae: {  	[dreg:$0x0] =	wrdreg $0x60  }
0xaf: {  	[dreg:$0x2] =	wrdreg s2  }
0xb0: {  	[dreg:$0x3] =	wrdreg s19  }
0xb1: {  	[dreg:$0x4] =	wrdreg $0x9  }
0xb2: {  	_ =	task.clear_ibuf [dreg:s8], $0x5FFFF;
	_ =	strace $0x90000046  }
0xb3: {  	s29 =	simm.s32 $0x9;
	_ =	strace $0x80000048  }
0xb4: {  	_ =	swait.ge [sflag:s29], $0x1  }
0xb5: {  	[sflag:s29] =	ssyncadd.s32 $0xFFFFFFFF  }
0xb6: {  	_ =	strace $0x90000048  }
0xb7: {  	_ =	sfence  }
0xb8: {  	s30 =	sld [smem:$0x0];
	_ =	sdelay $0x2  }
0xb9: {  	s31 =	sshll.u32 s1, $0xD;
	s1 =	sshrl.u32 s1, $0x2  }
0xba: {  	s3 =	sand.u32 $0x4000, s31;
	s1 =	sadd.s32 s1, s30  }
0xbb: {  	s0 =	sor.u32 s3, s0;
	s1 =	sshll.u32 s1, $0x11  }
0xbc: {  	s0 =	sor.u32 s1, s0  }
0xbd: {  	s0 =	sadd.s32 $0x8F2B, s0  }
0xbe: {  	[sflag:s0] =	ssyncadd.remote.s32 $0x1  }
0xbf: {  	_ =	sfence.sel $0xFFFF  }
0xc0: {  	[dreg:$0x0] =	wrdreg $0xFFFFFFFF;
	(pc) =	sbr.abs _section_cstart, $3  }
0xc1: {  	[dreg:$0x1] =	wrdreg $0xFFFFFFFF  }
0xc2: {  	_ =	task.clear_ibuf [dreg:s8], $0x2FFFF;
	_ =	strace $0x9FFFFFFF  }
0xc3: {  	(tm) =	ssettm $0x7FFFFFFF  }
tec
execute0_lowered:
.L_overlay_start_1:
0x0: {  	(tag) =	ssettag $0x1  }
0x1: {  	s3 =	rddreg [dreg:$0x0]  }
0x2: {  	s4 =	rddreg [dreg:$0x1]  }
0x3: {  	s0 =	rddreg [dreg:$0x2]  }
0x4: {  	s5 =	srdreg.scid;
	s1 =	stileid.u32  }
0x5: {  	s2 =	simm.s32 $0x0;
	s9 =	simm.s32 $0x4000;
	s10 =	simm.s32 $0x6080  }
0x6: {  	s11 =	simm.s32 $0x8100;
	s12 =	simm.s32 $0x0;
	s5 =	sand.u32 $0x1, s5  }
0x7: {  	s6 =	sshll.u32 s1, $0x6;
	s8 =	sshll.u32 s1, $0xC;
	[smem:$0x7FF] =	sst s2  }
0x8: {  	s7 =	sshll.u32 s5, $0x5;
	s6 =	sand.u32 $0x40, s6;
	s5 =	ssub.s32 $0x2, s5  }
0x9: {  	s8 =	sand.u32 $0xE000, s8;
	_ =	strace $0x80000047;
	s6 =	sor.u32 s7, s6  }
0xa: {  	s31 =	sshrl.u32 s5, $0x1;
	s7 =	simm.s32 $0x400;
	s6 =	sor.u32 s8, s6  }
0xb: {  	s5 =	ssub.s32 s5, s31;
	s8 =	simm.s32 $0x1;
	s3 =	sadd.s32 s3, s6  }
0xc: {  	v0 =	vimm.s32 $0x1;
	v1 =	vimm.f32 $-Inf;
	s4 =	sadd.s32 s4, s6;
	s5 =	smax.u32 s5, $0x1;
	s6 =	simm.s32 $0x100  }
.LBB2_1:
0xd: {  	[tilespmem:s2], [sflag:$0x1] =	stream.strided.gather [hbm4b:s3+s6], $0x4000, s7, s6, $0x38;
	[tilespmem:$0xC100] =	vst v63  }
0xe: {  	_ =	swait.ge [sflag:s8], $0x4000  }
0xf: {  	[sflag:s8] =	ssyncset.done $0x0  }
0x10: {  	v3 =	vimm.s32 $0x80000000;
	v2 =	vimm.s32 $0x80000000;
	s13 =	simm.s32 $0x0;
	[sflag:s8] =	ssyncadd.s32 $0xFFFFC000  }
.LBB2_2:
0x11: {  	s14 =	simm.s32 $0x0  }
0x12: {  	v12 =	vld [tilespmem:s14+$0x70]  }
0x13: {  	v21 =	vld [tilespmem:s14+$0xF0]  }
0x14: {  	v8 =	vld [tilespmem:s14+$0x60]  }
0x15: {  	v9 =	vld [tilespmem:s14+$0xE0]  }
0x16: {  	s15 =	sxor.u32 $0x1F, s13;
	v13 =	vld [tilespmem:s14+$0x50]  }
0x17: {  	v4 =	vshll.u32 v0, s15;
	v11 =	vld [tilespmem:s14+$0xD0]  }
0x18: {  	v14 =	vld [tilespmem:s14+$0x40];
	v5 =	vbroadcast v4, $0x0  }
0x19: {  	v16 =	vld [tilespmem:s14+$0xC0]  }
0x1a: {  	v15 =	vld [tilespmem:s14+$0x30];
	v4 =	vadd.s32 v2, v5;
	v5 =	vadd.s32 v3, v5  }
0x1b: {  	v17 =	vld [tilespmem:s14+$0xB0];
	v6 =	vshra.s32 v4, $0x1F;
	v7 =	vshra.s32 v5, $0x1F  }
0x1c: {  	v20 =	vld [tilespmem:s14+$0x20];
	v6 =	vand.u32 $0x7FFFFFFF, v6;
	v18 =	vand.u32 $0x7FFFFFFF, v7  }
0x1d: {  	v10 =	vimm.s32 $0x0;
	v19 =	vld [tilespmem:s14+$0x10];
	v7 =	vxor.u32 v4, v6;
	v6 =	vxor.u32 v5, v18  }
0x1e: {  	s15 =	simm.s32 $0x400;
	v18 =	vld [tilespmem:s14+$0x0];
	vm2 =	vge.f32 v12, v7;
	vm0 =	vge.f32 v21, v6;
	v12 =	vimm.s32 $0x0  }
.LBB2_3:
0x1f: {  	p0 =	sne.s32 s15, $0xFC00;
	v21 =	vld [tilespmem:s14+$0x80];
	vm6 =	vge.f32 v13, v7;
	vm7 =	vge.f32 v8, v7;
	vm1 =	vge.f32 v9, v6  }
0x20: {  	vm8 =	vge.f32 v14, v7;
	vm4 =	vge.f32 v16, v6;
	vm3 =	vge.f32 v11, v6;
	v13 =	vld [tilespmem:s14+$0x90]  }
0x21: {  	vm10 =	vge.f32 v15, v7;
	vm5 =	vge.f32 v17, v6;
	vm9 =	vge.f32 v20, v7;
	v11 =	vld [tilespmem:s14+$0xA0];
	s14 =	sshra.s32 s15, $0x2  }
0x22: {  	v24 =	vmpcnt.ones.xlane vm2;
	v23 =	vmpcnt.ones.xlane vm7;
	v22 =	vld [tilespmem:s14+$0x70];
	vm11 =	vge.f32 v19, v7  }
0x23: {  	v19 =	vmpcnt.ones.xlane vm6;
	v25 =	vld [tilespmem:s14+$0xF0];
	vm2 =	vge.f32 v18, v7;
	v18 =	vmpcnt.ones.xlane vm8  }
0x24: {  	v17 =	vmpcnt.ones.xlane vm10;
	v15 =	vmpcnt.ones.xlane vm9;
	v8 =	vld [tilespmem:s14+$0x60];
	vm6 =	vge.f32 v21, v6  }
0x25: {  	v14 =	vmpcnt.ones.xlane vm2;
	v9 =	vld [tilespmem:s14+$0xE0];
	v16 =	vmpcnt.ones.xlane vm6;
	vm2 =	vge.f32 v13, v6  }
0x26: {  	v20 =	vmpcnt.ones.xlane vm11;
	v13 =	vld [tilespmem:s14+$0x50];
	v21 =	vmpcnt.ones.xlane vm2;
	vm2 =	vge.f32 v11, v6  }
0x27: {  	v10 =	vadd.s32 v10, v14;
	v11 =	vld [tilespmem:s14+$0xD0];
	v12 =	vadd.s32 v12, v16;
	v26 =	vmpcnt.ones.xlane vm2  }
0x28: {  	v10 =	vadd.s32 v20, v10;
	v20 =	vmpcnt.ones.xlane vm5;
	v14 =	vld [tilespmem:s14+$0x40];
	v12 =	vadd.s32 v21, v12  }
0x29: {  	v10 =	vadd.s32 v15, v10;
	v21 =	vmpcnt.ones.xlane vm4;
	v16 =	vld [tilespmem:s14+$0xC0];
	v12 =	vadd.s32 v26, v12  }
.Ltmp0:
0x2a: {  	v10 =	vadd.s32 v17, v10;
	v26 =	vmpcnt.ones.xlane vm3;
	v15 =	vld [tilespmem:s14+$0x30];
	v12 =	vadd.s32 v20, v12;
	(pc) =	sbr.rel @p0 .LBB2_3-.Ltmp0, $4  }
0x2b: {  	v10 =	vadd.s32 v18, v10;
	v18 =	vmpcnt.ones.xlane vm1;
	v17 =	vld [tilespmem:s14+$0xB0];
	v12 =	vadd.s32 v21, v12  }
0x2c: {  	v10 =	vadd.s32 v19, v10;
	v21 =	vmpcnt.ones.xlane vm0;
	v20 =	vld [tilespmem:s14+$0x20];
	v12 =	vadd.s32 v26, v12  }
0x2d: {  	vm2 =	vge.f32 v22, v7;
	v10 =	vadd.s32 v23, v10;
	v19 =	vld [tilespmem:s14+$0x10];
	v12 =	vadd.s32 v18, v12  }
0x2e: {  	s15 =	sadd.s32 $0x400, s15;
	vm0 =	vge.f32 v25, v6;
	v10 =	vadd.s32 v24, v10;
	v18 =	vld [tilespmem:s14+$0x0];
	v12 =	vadd.s32 v21, v12  }
0x2f: {  	v21 =	vld [tilespmem:s14+$0x80];
	vm3 =	vge.f32 v13, v7;
	vm4 =	vge.f32 v8, v7;
	vm1 =	vge.f32 v9, v6  }
0x30: {  	v42 =	vld [tilespmem:s14+$0x90];
	vm5 =	vge.f32 v14, v7;
	vm6 =	vge.f32 v16, v6;
	vm7 =	vge.f32 v11, v6  }
0x31: {  	v43 =	vld [tilespmem:s14+$0xA0];
	vm9 =	vge.f32 v15, v7;
	v45 =	vmpcnt.ones.xlane vm2;
	v44 =	vmpcnt.ones.xlane vm4  }
0x32: {  	vm10 =	vge.f32 v17, v6;
	v46 =	vmpcnt.ones.xlane vm5;
	v47 =	vmpcnt.ones.xlane vm3  }
0x33: {  	v49 =	vmpcnt.ones.xlane vm9;
	vm8 =	vge.f32 v20, v7;
	vm11 =	vge.f32 v19, v7  }
0x34: {  	v48 =	vmpcnt.ones.xlane vm8;
	vm14 =	vge.f32 v18, v7;
	vm15 =	vge.f32 v21, v6  }
0x35: {  	v50 =	vmpcnt.ones.xlane vm14;
	vm12 =	vge.f32 v42, v6;
	v51 =	vmpcnt.ones.xlane vm15  }
0x36: {  	v52 =	vmpcnt.ones.xlane vm11;
	vm13 =	vge.f32 v43, v6;
	v53 =	vmpcnt.ones.xlane vm12  }
0x37: {  	v56 =	vmpcnt.ones.xlane vm13;
	v54 =	vadd.s32 v10, v50;
	v55 =	vadd.s32 v12, v51  }
0x38: {  	v58 =	vmpcnt.ones.xlane vm10;
	v6 =	vadd.s32 v52, v54;
	v57 =	vadd.s32 v53, v55  }
0x39: {  	v59 =	vmpcnt.ones.xlane vm6;
	v6 =	vadd.s32 v48, v6;
	v8 =	vadd.s32 v56, v57  }
0x3a: {  	s13 =	sadd.s32 $0x1, s13;
	v60 =	vmpcnt.ones.xlane vm7;
	v6 =	vadd.s32 v49, v6;
	v8 =	vadd.s32 v58, v8  }
0x3b: {  	v62 =	vmpcnt.ones.xlane vm1;
	p0 =	sne.s32 s13, $0xB;
	v6 =	vadd.s32 v46, v6;
	v61 =	vadd.s32 v59, v8  }
.Ltmp1:
0x3c: {  	v63 =	vmpcnt.ones.xlane vm0;
	v6 =	vadd.s32 v47, v6;
	v7 =	vadd.s32 v60, v61;
	(pc) =	sbr.rel @p0 .LBB2_2-.Ltmp1, $4  }
0x3d: {  	v6 =	vadd.s32 v44, v6;
	v7 =	vadd.s32 v62, v7  }
0x3e: {  	v6 =	vadd.s32 v45, v6;
	v7 =	vadd.s32 v63, v7  }
0x3f: {  	vm14 =	vgt.s32 v6, $0xFF;
	vm15 =	vgt.s32 v7, $0xFF  }
0x40: {  	v2 =	vsel vm14, v4, v2;
	v3 =	vsel vm15, v5, v3  }
0x41: {  	[tilespmem:$0x4000] =	vst v1  }
0x42: {  	[tilespmem:$0x6080] =	vst v1  }
0x43: {  	[tilespmem:$0x4010] =	vst v1  }
0x44: {  	[tilespmem:$0x6090] =	vst v1  }
0x45: {  	[tilespmem:$0x4020] =	vst v1  }
0x46: {  	[tilespmem:$0x60A0] =	vst v1  }
0x47: {  	[tilespmem:$0x4030] =	vst v1  }
0x48: {  	[tilespmem:$0x60B0] =	vst v1  }
0x49: {  	[tilespmem:$0x4040] =	vst v1  }
0x4a: {  	[tilespmem:$0x60C0] =	vst v1  }
0x4b: {  	[tilespmem:$0x4050] =	vst v1  }
0x4c: {  	[tilespmem:$0x60D0] =	vst v1  }
0x4d: {  	[tilespmem:$0x4060] =	vst v1  }
0x4e: {  	[tilespmem:$0x60E0] =	vst v1  }
0x4f: {  	[tilespmem:$0x4070] =	vst v1  }
0x50: {  	[tilespmem:$0x60F0] =	vst v1  }
0x51: {  	[tilespmem:$0x4080] =	vst v1  }
0x52: {  	[tilespmem:$0x6100] =	vst v1  }
0x53: {  	[tilespmem:$0x4090] =	vst v1  }
0x54: {  	[tilespmem:$0x6110] =	vst v1  }
0x55: {  	[tilespmem:$0x40A0] =	vst v1  }
0x56: {  	[tilespmem:$0x6120] =	vst v1  }
0x57: {  	[tilespmem:$0x40B0] =	vst v1  }
0x58: {  	[tilespmem:$0x6130] =	vst v1  }
0x59: {  	[tilespmem:$0x40C0] =	vst v1  }
0x5a: {  	[tilespmem:$0x6140] =	vst v1  }
0x5b: {  	[tilespmem:$0x40D0] =	vst v1  }
0x5c: {  	[tilespmem:$0x6150] =	vst v1  }
0x5d: {  	[tilespmem:$0x40E0] =	vst v1  }
0x5e: {  	[tilespmem:$0x6160] =	vst v1  }
0x5f: {  	[tilespmem:$0x40F0] =	vst v1  }
0x60: {  	[tilespmem:$0x6170] =	vst v1  }
0x61: {  	[tilespmem:$0x4100] =	vst v1  }
0x62: {  	[tilespmem:$0x6180] =	vst v1  }
0x63: {  	[tilespmem:$0x4110] =	vst v1  }
0x64: {  	[tilespmem:$0x6190] =	vst v1  }
0x65: {  	[tilespmem:$0x4120] =	vst v1  }
0x66: {  	[tilespmem:$0x61A0] =	vst v1  }
0x67: {  	[tilespmem:$0x4130] =	vst v1  }
0x68: {  	[tilespmem:$0x61B0] =	vst v1  }
0x69: {  	[tilespmem:$0x4140] =	vst v1  }
0x6a: {  	[tilespmem:$0x61C0] =	vst v1  }
0x6b: {  	[tilespmem:$0x4150] =	vst v1  }
0x6c: {  	[tilespmem:$0x61D0] =	vst v1  }
0x6d: {  	[tilespmem:$0x4160] =	vst v1  }
0x6e: {  	[tilespmem:$0x61E0] =	vst v1  }
0x6f: {  	[tilespmem:$0x4170] =	vst v1  }
0x70: {  	[tilespmem:$0x61F0] =	vst v1  }
0x71: {  	[tilespmem:$0x4180] =	vst v1  }
0x72: {  	[tilespmem:$0x6200] =	vst v1  }
0x73: {  	[tilespmem:$0x4190] =	vst v1  }
0x74: {  	[tilespmem:$0x6210] =	vst v1  }
0x75: {  	[tilespmem:$0x41A0] =	vst v1  }
0x76: {  	[tilespmem:$0x6220] =	vst v1  }
0x77: {  	[tilespmem:$0x41B0] =	vst v1  }
0x78: {  	[tilespmem:$0x6230] =	vst v1  }
0x79: {  	[tilespmem:$0x41C0] =	vst v1  }
0x7a: {  	[tilespmem:$0x6240] =	vst v1  }
0x7b: {  	[tilespmem:$0x41D0] =	vst v1  }
0x7c: {  	[tilespmem:$0x6250] =	vst v1  }
0x7d: {  	[tilespmem:$0x41E0] =	vst v1  }
0x7e: {  	[tilespmem:$0x6260] =	vst v1  }
0x7f: {  	[tilespmem:$0x41F0] =	vst v1  }
0x80: {  	[tilespmem:$0x6270] =	vst v1;
	v4 =	vadd.s32 $0x1, v2  }
0x81: {  	[tilespmem:$0x4200] =	vst v1;
	v6 =	vadd.s32 $0x1, v3;
	v5 =	vshra.s32 v4, $0x1F  }
0x82: {  	[tilespmem:$0x6280] =	vst v1;
	v7 =	vshra.s32 v6, $0x1F;
	v5 =	vand.u32 $0x7FFFFFFF, v5  }
0x83: {  	[tilespmem:$0x4210] =	vst v1;
	v7 =	vand.u32 $0x7FFFFFFF, v7;
	v5 =	vxor.u32 v4, v5  }
0x84: {  	[tilespmem:$0x6290] =	vst v1;
	s13 =	simm.s32 $0x0;
	v4 =	vimm.s32 $0x0;
	v6 =	vxor.u32 v6, v7;
	v7 =	vimm.s32 $0x0  }
.LBB2_6:
0x85: {  	s14 =	sshra.s32 s13, $0x2  }
0x86: {  	v8 =	vld [tilespmem:s14+$0x0];
	_ =	sdelay $0x4  }
0x87: {  	vm0 =	vge.f32 v8, v5  }
0x88: {  	(xrf0) =	vadd.scan.msk.s32 vm0, v0;
	_ =	sdelay $0x5  }
0x89: {  	v9, _, _ =	vpop (xrf0)  }
0x8a: {  	v9 =	vadd.s32 v9, v7  }
0x8b: {  	v9 =	vadd.s32 $0xFFFFFFFF, v9;
	_ =	sdelay $0x4  }
0x8c: {  	[tilespmem:v9+s9+$0x0] =	vst.idx.msk vm0, v8  }
0x8d: {  	v8 =	vld [tilespmem:s14+$0x80];
	_ =	sdelay $0x4  }
0x8e: {  	vm1 =	vge.f32 v8, v6  }
0x8f: {  	(xrf0) =	vadd.scan.msk.s32 vm1, v0;
	_ =	sdelay $0x5  }
0x90: {  	v35, _, _ =	vpop (xrf0)  }
0x91: {  	v9 =	vadd.s32 v35, v4  }
0x92: {  	v9 =	vadd.s32 $0xFFFFFFFF, v9;
	_ =	sdelay $0x4  }
0x93: {  	[tilespmem:v9+s10+$0x0] =	vst.idx.msk vm1, v8  }
0x94: {  	v8 =	vld [tilespmem:s14+$0x10];
	_ =	sdelay $0x4  }
0x95: {  	vm2 =	vge.f32 v8, v5  }
0x96: {  	(xrf0) =	vadd.scan.msk.s32 vm2, v0;
	_ =	sdelay $0x3  }
0x97: {  	v36 =	vmpcnt.ones.xlane vm0;
	_ =	sdelay $0x1  }
0x98: {  	v7 =	vadd.s32 v7, v36;
	v37, _, _ =	vpop (xrf0)  }
0x99: {  	v9 =	vadd.s32 v37, v7  }
0x9a: {  	v9 =	vadd.s32 $0xFFFFFFFF, v9;
	_ =	sdelay $0x4  }
0x9b: {  	[tilespmem:v9+s9+$0x0] =	vst.idx.msk vm2, v8  }
0x9c: {  	v8 =	vld [tilespmem:s14+$0x90];
	_ =	sdelay $0x4  }
0x9d: {  	vm15 =	vge.f32 v8, v6  }
0x9e: {  	(xrf0) =	vadd.scan.msk.s32 vm15, v0;
	_ =	sdelay $0x3  }
0x9f: {  	v38 =	vmpcnt.ones.xlane vm1;
	_ =	sdelay $0x1  }
0xa0: {  	v4 =	vadd.s32 v4, v38;
	v39, _, _ =	vpop (xrf0)  }
0xa1: {  	v9 =	vadd.s32 v39, v4  }
0xa2: {  	v9 =	vadd.s32 $0xFFFFFFFF, v9;
	_ =	sdelay $0x4  }
0xa3: {  	[tilespmem:v9+s10+$0x0] =	vst.idx.msk vm15, v8  }
0xa4: {  	v8 =	vld [tilespmem:s14+$0x20];
	_ =	sdelay $0x4  }
0xa5: {  	vm4 =	vge.f32 v8, v5  }
0xa6: {  	(xrf0) =	vadd.scan.msk.s32 vm4, v0;
	_ =	sdelay $0x3  }
0xa7: {  	v40 =	vmpcnt.ones.xlane vm2;
	_ =	sdelay $0x1  }
0xa8: {  	v7 =	vadd.s32 v7, v40;
	v41, _, _ =	vpop (xrf0)  }
0xa9: {  	v9 =	vadd.s32 v41, v7  }
0xaa: {  	v9 =	vadd.s32 $0xFFFFFFFF, v9;
	_ =	sdelay $0x4  }
0xab: {  	[tilespmem:v9+s9+$0x0] =	vst.idx.msk vm4, v8  }
0xac: {  	v8 =	vld [tilespmem:s14+$0xA0];
	_ =	sdelay $0x4  }
0xad: {  	vm5 =	vge.f32 v8, v6  }
0xae: {  	(xrf0) =	vadd.scan.msk.s32 vm5, v0;
	_ =	sdelay $0x3  }
0xaf: {  	v42 =	vmpcnt.ones.xlane vm15;
	_ =	sdelay $0x1  }
0xb0: {  	v4 =	vadd.s32 v4, v42;
	v43, _, _ =	vpop (xrf0)  }
0xb1: {  	v9 =	vadd.s32 v43, v4  }
0xb2: {  	v9 =	vadd.s32 $0xFFFFFFFF, v9;
	_ =	sdelay $0x4  }
0xb3: {  	[tilespmem:v9+s10+$0x0] =	vst.idx.msk vm5, v8  }
0xb4: {  	v8 =	vld [tilespmem:s14+$0x30];
	_ =	sdelay $0x4  }
0xb5: {  	vm6 =	vge.f32 v8, v5  }
0xb6: {  	(xrf0) =	vadd.scan.msk.s32 vm6, v0;
	_ =	sdelay $0x3  }
0xb7: {  	v44 =	vmpcnt.ones.xlane vm4;
	_ =	sdelay $0x1  }
0xb8: {  	v7 =	vadd.s32 v7, v44;
	v45, _, _ =	vpop (xrf0)  }
0xb9: {  	v9 =	vadd.s32 v45, v7  }
0xba: {  	v9 =	vadd.s32 $0xFFFFFFFF, v9;
	_ =	sdelay $0x4  }
0xbb: {  	[tilespmem:v9+s9+$0x0] =	vst.idx.msk vm6, v8  }
0xbc: {  	v8 =	vld [tilespmem:s14+$0xB0];
	_ =	sdelay $0x4  }
0xbd: {  	vm7 =	vge.f32 v8, v6  }
0xbe: {  	(xrf0) =	vadd.scan.msk.s32 vm7, v0;
	_ =	sdelay $0x3  }
0xbf: {  	v46 =	vmpcnt.ones.xlane vm5;
	_ =	sdelay $0x1  }
0xc0: {  	v4 =	vadd.s32 v4, v46;
	v47, _, _ =	vpop (xrf0)  }
0xc1: {  	v9 =	vadd.s32 v47, v4  }
0xc2: {  	v9 =	vadd.s32 $0xFFFFFFFF, v9;
	_ =	sdelay $0x4  }
0xc3: {  	[tilespmem:v9+s10+$0x0] =	vst.idx.msk vm7, v8  }
0xc4: {  	v8 =	vld [tilespmem:s14+$0x40];
	_ =	sdelay $0x4  }
0xc5: {  	vm8 =	vge.f32 v8, v5  }
0xc6: {  	(xrf0) =	vadd.scan.msk.s32 vm8, v0;
	_ =	sdelay $0x3  }
0xc7: {  	v48 =	vmpcnt.ones.xlane vm6;
	_ =	sdelay $0x1  }
0xc8: {  	v7 =	vadd.s32 v7, v48;
	v49, _, _ =	vpop (xrf0)  }
0xc9: {  	v9 =	vadd.s32 v49, v7  }
0xca: {  	v9 =	vadd.s32 $0xFFFFFFFF, v9;
	_ =	sdelay $0x4  }
0xcb: {  	[tilespmem:v9+s9+$0x0] =	vst.idx.msk vm8, v8  }
0xcc: {  	v8 =	vld [tilespmem:s14+$0xC0];
	_ =	sdelay $0x4  }
0xcd: {  	vm9 =	vge.f32 v8, v6  }
0xce: {  	(xrf0) =	vadd.scan.msk.s32 vm9, v0;
	_ =	sdelay $0x3  }
0xcf: {  	v50 =	vmpcnt.ones.xlane vm7;
	_ =	sdelay $0x1  }
0xd0: {  	v4 =	vadd.s32 v4, v50;
	v51, _, _ =	vpop (xrf0)  }
0xd1: {  	v9 =	vadd.s32 v51, v4  }
0xd2: {  	v9 =	vadd.s32 $0xFFFFFFFF, v9;
	_ =	sdelay $0x4  }
0xd3: {  	[tilespmem:v9+s10+$0x0] =	vst.idx.msk vm9, v8  }
0xd4: {  	v8 =	vld [tilespmem:s14+$0x50];
	_ =	sdelay $0x4  }
0xd5: {  	vm10 =	vge.f32 v8, v5  }
0xd6: {  	(xrf0) =	vadd.scan.msk.s32 vm10, v0;
	_ =	sdelay $0x3  }
0xd7: {  	v52 =	vmpcnt.ones.xlane vm8;
	_ =	sdelay $0x1  }
0xd8: {  	v7 =	vadd.s32 v7, v52;
	v53, _, _ =	vpop (xrf0)  }
0xd9: {  	v9 =	vadd.s32 v53, v7  }
0xda: {  	v9 =	vadd.s32 $0xFFFFFFFF, v9;
	_ =	sdelay $0x4  }
0xdb: {  	[tilespmem:v9+s9+$0x0] =	vst.idx.msk vm10, v8  }
0xdc: {  	v8 =	vld [tilespmem:s14+$0xD0];
	_ =	sdelay $0x4  }
0xdd: {  	vm11 =	vge.f32 v8, v6  }
0xde: {  	(xrf0) =	vadd.scan.msk.s32 vm11, v0;
	_ =	sdelay $0x3  }
0xdf: {  	v54 =	vmpcnt.ones.xlane vm9;
	_ =	sdelay $0x1  }
0xe0: {  	v4 =	vadd.s32 v4, v54;
	v55, _, _ =	vpop (xrf0)  }
0xe1: {  	v9 =	vadd.s32 v55, v4  }
0xe2: {  	v9 =	vadd.s32 $0xFFFFFFFF, v9;
	_ =	sdelay $0x4  }
0xe3: {  	[tilespmem:v9+s10+$0x0] =	vst.idx.msk vm11, v8  }
0xe4: {  	v8 =	vld [tilespmem:s14+$0x60];
	_ =	sdelay $0x4  }
0xe5: {  	vm12 =	vge.f32 v8, v5  }
0xe6: {  	(xrf0) =	vadd.scan.msk.s32 vm12, v0;
	_ =	sdelay $0x3  }
0xe7: {  	v56 =	vmpcnt.ones.xlane vm10;
	_ =	sdelay $0x1  }
0xe8: {  	v7 =	vadd.s32 v7, v56;
	v57, _, _ =	vpop (xrf0)  }
0xe9: {  	v9 =	vadd.s32 v57, v7  }
0xea: {  	v9 =	vadd.s32 $0xFFFFFFFF, v9;
	_ =	sdelay $0x4  }
0xeb: {  	[tilespmem:v9+s9+$0x0] =	vst.idx.msk vm12, v8  }
0xec: {  	v8 =	vld [tilespmem:s14+$0xE0];
	_ =	sdelay $0x4  }
0xed: {  	vm13 =	vge.f32 v8, v6  }
0xee: {  	(xrf0) =	vadd.scan.msk.s32 vm13, v0;
	_ =	sdelay $0x3  }
0xef: {  	v58 =	vmpcnt.ones.xlane vm11;
	_ =	sdelay $0x1  }
0xf0: {  	v4 =	vadd.s32 v4, v58;
	v59, _, _ =	vpop (xrf0)  }
0xf1: {  	v9 =	vadd.s32 v59, v4  }
0xf2: {  	v9 =	vadd.s32 $0xFFFFFFFF, v9;
	_ =	sdelay $0x4  }
0xf3: {  	[tilespmem:v9+s10+$0x0] =	vst.idx.msk vm13, v8  }
0xf4: {  	v8 =	vld [tilespmem:s14+$0x70];
	_ =	sdelay $0x4  }
0xf5: {  	vm14 =	vge.f32 v8, v5  }
0xf6: {  	(xrf0) =	vadd.scan.msk.s32 vm14, v0;
	_ =	sdelay $0x3  }
0xf7: {  	v60 =	vmpcnt.ones.xlane vm12;
	_ =	sdelay $0x1  }
0xf8: {  	v7 =	vadd.s32 v7, v60;
	v61, _, _ =	vpop (xrf0)  }
0xf9: {  	v9 =	vadd.s32 v61, v7  }
0xfa: {  	v9 =	vadd.s32 $0xFFFFFFFF, v9;
	_ =	sdelay $0x4  }
0xfb: {  	[tilespmem:v9+s9+$0x0] =	vst.idx.msk vm14, v8  }
0xfc: {  	v8 =	vld [tilespmem:s14+$0xF0];
	_ =	sdelay $0x4  }
0xfd: {  	vm15 =	vge.f32 v8, v6  }
0xfe: {  	(xrf0) =	vadd.scan.msk.s32 vm15, v0;
	_ =	sdelay $0x3  }
0xff: {  	v62 =	vmpcnt.ones.xlane vm13;
	_ =	sdelay $0x1  }
0x100: {  	v4 =	vadd.s32 v4, v62;
	v63, _, _ =	vpop (xrf0)  }
0x101: {  	v9 =	vadd.s32 v63, v4  }
0x102: {  	p0 =	sne.s32 s13, $0xFC00;
	v9 =	vadd.s32 $0xFFFFFFFF, v9  }
.Ltmp2:
0x103: {  	_ = 	snop;
	(pc) =	sbr.rel @p0 .LBB2_6-.Ltmp2, $3  }
0x104: {  	_ = 	snop  }
0x105: {  	v10 =	vmpcnt.ones.xlane vm14;
	v11 =	vmpcnt.ones.xlane vm15;
	_ =	sdelay $0x1  }
0x106: {  	s13 =	sadd.s32 $0x400, s13;
	v7 =	vadd.s32 v7, v10;
	v4 =	vadd.s32 v4, v11;
	[tilespmem:v9+s10+$0x0] =	vst.idx.msk vm15, v8  }
0x107: {  	(v2sf) =	vpush v7, $0x0;
	_ =	sdelay $0xe  }
0x108: {  	s13 =	spop (v2sf)  }
0x109: {  	s14 =	sadd.s32 $0xF, s13  }
0x10a: {  	s15 =	sand.u32 $0xF, s14  }
0x10b: {  	s31 =	sshra.s32 s14, $0x1F;
	p1 =	slt.s32 s14, $0x1;
	p0 =	sne.s32 s15, $0x0  }
0x10c: {  	s15 =	sshrl.u32 s31, $0x1C;
	p0 =	por !p1, !p0  }
0x10d: {  	s14 =	sadd.s32 s15, s14;
	s15 =	simm.s32 $0x1;
	p0 =	por !p0, !p0  }
.Ltmp3:
0x10e: {  	s14 =	sshra.s32 s14, $0x4;
	s15 =	simm.s32 @!p0 $0x0;
	(pc) =	sbr.rel .LBB2_8-.Ltmp3, $4  }
0x10f: {  	s14 =	ssub.s32 s14, s15  }
0x110: {  	[tilespmem:s13+$0x4000] =	vst v1;
	p1 =	sgt.s32 s14, $0x20  }
0x111: {  	[tilespmem:s13+$0x4010] =	vst v1;
	p0 =	slt.s32 s14, $0x21;
	s14 =	simm.s32 @!p1 $0x20  }
0x112: {  	v5 =	vld [tilespmem:$0x4000];
	s13 =	sadd.s32 $0xFFFFFFE0, s14;
	s14 =	simm.s32 $0x0  }
.LBB2_11:
0x113: {  	v7 =	vmpcnt.ones.xlane vm0;
	_ =	sdelay $0x1  }
0x114: {  	v8 =	vadd.s32 v8, v7  }
.LBB2_12:
0x115: {  	s14 =	sadd.s32 $0x1, s14  }
0x116: {  	p1 =	sne.s32 s14, $0x15  }
.Ltmp4:
0x117: {  	_ = 	snop;
	(pc) =	sbr.rel @!p1 .LBB2_13-.Ltmp4, $3  }
0x118: {  	_ =	sdelay $0x1  }
0x119: {  	vm0 =	vgt.s32 v8, $0xFF  }
0x11a: {  	v2 =	vsel vm0, v6, v2  }
.LBB2_8:
0x11b: {  	s15 =	ssub.s32 $0x14, s14  }
0x11c: {  	v6 =	vshll.u32 v0, s15  }
0x11d: {  	v6 =	vbroadcast v6, $0x0  }
0x11e: {  	v8 =	vld [tilespmem:$0x4010]  }
0x11f: {  	v9 =	vld [tilespmem:$0x4020];
	v6 =	vadd.s32 v2, v6  }
0x120: {  	v10 =	vld [tilespmem:$0x4030];
	v7 =	vshra.s32 v6, $0x1F  }
0x121: {  	v11 =	vld [tilespmem:$0x4040];
	v7 =	vand.u32 $0x7FFFFFFF, v7  }
0x122: {  	v12 =	vld [tilespmem:$0x4050];
	v7 =	vxor.u32 v6, v7  }
0x123: {  	vm0 =	vge.f32 v5, v7;
	vm1 =	vge.f32 v8, v7;
	v8 =	vld [tilespmem:$0x4060]  }
0x124: {  	vm10 =	vge.f32 v9, v7;
	v9 =	vld [tilespmem:$0x4070];
	v13 =	vmpcnt.ones.xlane vm0;
	v14 =	vmpcnt.ones.xlane vm1  }
0x125: {  	vm11 =	vge.f32 v10, v7;
	v10 =	vld [tilespmem:$0x4080];
	v15 =	vmpcnt.ones.xlane vm10  }
0x126: {  	vm12 =	vge.f32 v11, v7;
	v11 =	vld [tilespmem:$0x4090];
	v34 =	vmpcnt.ones.xlane vm11;
	v13 =	vadd.s32 v13, v14  }
0x127: {  	v36 =	vld [tilespmem:$0x40A0];
	vm13 =	vge.f32 v12, v7;
	v35 =	vmpcnt.ones.xlane vm12;
	v13 =	vadd.s32 v15, v13  }
0x128: {  	v37 =	vmpcnt.ones.xlane vm13;
	v13 =	vadd.s32 v34, v13;
	vm14 =	vge.f32 v8, v7;
	v8 =	vld [tilespmem:$0x40B0]  }
0x129: {  	vm15 =	vge.f32 v9, v7;
	v9 =	vld [tilespmem:$0x40C0];
	v13 =	vadd.s32 v35, v13;
	v38 =	vmpcnt.ones.xlane vm14  }
0x12a: {  	vm4 =	vge.f32 v10, v7;
	v10 =	vld [tilespmem:$0x40D0];
	v39 =	vmpcnt.ones.xlane vm15;
	v13 =	vadd.s32 v37, v13  }
0x12b: {  	vm5 =	vge.f32 v11, v7;
	v11 =	vld [tilespmem:$0x40E0];
	v40 =	vmpcnt.ones.xlane vm4;
	v13 =	vadd.s32 v38, v13  }
0x12c: {  	v42 =	vld [tilespmem:$0x40F0];
	vm6 =	vge.f32 v36, v7;
	v41 =	vmpcnt.ones.xlane vm5;
	v13 =	vadd.s32 v39, v13  }
0x12d: {  	v43 =	vmpcnt.ones.xlane vm6;
	v13 =	vadd.s32 v40, v13;
	vm7 =	vge.f32 v8, v7;
	v8 =	vld [tilespmem:$0x4100]  }
0x12e: {  	vm8 =	vge.f32 v9, v7;
	v9 =	vld [tilespmem:$0x4110];
	v13 =	vadd.s32 v41, v13;
	v44 =	vmpcnt.ones.xlane vm7  }
0x12f: {  	vm9 =	vge.f32 v10, v7;
	v10 =	vld [tilespmem:$0x4120];
	v45 =	vmpcnt.ones.xlane vm8;
	v13 =	vadd.s32 v43, v13  }
0x130: {  	vm10 =	vge.f32 v11, v7;
	v11 =	vld [tilespmem:$0x4130];
	v46 =	vmpcnt.ones.xlane vm9;
	v13 =	vadd.s32 v44, v13  }
0x131: {  	v48 =	vld [tilespmem:$0x4140];
	vm11 =	vge.f32 v42, v7;
	v47 =	vmpcnt.ones.xlane vm10;
	v13 =	vadd.s32 v45, v13  }
0x132: {  	v49 =	vmpcnt.ones.xlane vm11;
	v13 =	vadd.s32 v46, v13;
	vm12 =	vge.f32 v8, v7;
	v8 =	vld [tilespmem:$0x4150]  }
0x133: {  	vm13 =	vge.f32 v9, v7;
	v9 =	vld [tilespmem:$0x4160];
	v13 =	vadd.s32 v47, v13;
	v50 =	vmpcnt.ones.xlane vm12  }
0x134: {  	vm14 =	vge.f32 v10, v7;
	v10 =	vld [tilespmem:$0x4170];
	v51 =	vmpcnt.ones.xlane vm13;
	v13 =	vadd.s32 v49, v13  }
0x135: {  	vm15 =	vge.f32 v11, v7;
	v11 =	vld [tilespmem:$0x4180];
	v52 =	vmpcnt.ones.xlane vm14;
	v13 =	vadd.s32 v50, v13  }
0x136: {  	v54 =	vld [tilespmem:$0x4190];
	vm4 =	vge.f32 v48, v7;
	v53 =	vmpcnt.ones.xlane vm15;
	v13 =	vadd.s32 v51, v13  }
0x137: {  	v55 =	vmpcnt.ones.xlane vm4;
	v13 =	vadd.s32 v52, v13;
	vm5 =	vge.f32 v8, v7;
	v8 =	vld [tilespmem:$0x41A0]  }
0x138: {  	vm6 =	vge.f32 v9, v7;
	v9 =	vld [tilespmem:$0x41B0];
	v13 =	vadd.s32 v53, v13;
	v56 =	vmpcnt.ones.xlane vm5  }
0x139: {  	vm7 =	vge.f32 v10, v7;
	v10 =	vld [tilespmem:$0x41C0];
	v57 =	vmpcnt.ones.xlane vm6;
	v13 =	vadd.s32 v55, v13  }
0x13a: {  	vm8 =	vge.f32 v11, v7;
	v11 =	vld [tilespmem:$0x41D0];
	v58 =	vmpcnt.ones.xlane vm7;
	v13 =	vadd.s32 v56, v13  }
0x13b: {  	v60 =	vld [tilespmem:$0x41E0];
	vm9 =	vge.f32 v54, v7;
	v59 =	vmpcnt.ones.xlane vm8;
	v13 =	vadd.s32 v57, v13  }
0x13c: {  	v61 =	vmpcnt.ones.xlane vm9;
	v13 =	vadd.s32 v58, v13;
	vm10 =	vge.f32 v8, v7;
	v8 =	vld [tilespmem:$0x41F0]  }
0x13d: {  	vm11 =	vge.f32 v9, v7;
	v13 =	vadd.s32 v59, v13;
	v62 =	vmpcnt.ones.xlane vm10  }
0x13e: {  	vm12 =	vge.f32 v10, v7;
	v63 =	vmpcnt.ones.xlane vm11;
	v9 =	vadd.s32 v61, v13  }
0x13f: {  	vm13 =	vge.f32 v11, v7;
	v10 =	vmpcnt.ones.xlane vm12;
	v9 =	vadd.s32 v62, v9  }
.Ltmp5:
0x140: {  	vm14 =	vge.f32 v60, v7;
	v11 =	vmpcnt.ones.xlane vm13;
	v9 =	vadd.s32 v63, v9;
	(pc) =	sbr.rel @p0 .LBB2_12-.Ltmp5, $4  }
0x141: {  	v9 =	vadd.s32 v10, v9;
	v10 =	vmpcnt.ones.xlane vm14;
	vm15 =	vge.f32 v8, v7  }
0x142: {  	v8 =	vadd.s32 v11, v9;
	v9 =	vmpcnt.ones.xlane vm15  }
0x143: {  	v8 =	vadd.s32 v10, v8  }
0x144: {  	s16 =	simm.s32 $0x4200;
	v8 =	vadd.s32 v9, v8  }
0x145: {  	v9 =	vld [tilespmem:s16+$0x0];
	p1 =	sne.s32 s13, $0x1  }
.Ltmp6:
0x146: {  	_ = 	snop;
	(pc) =	sbr.rel @!p1 .LBB2_11-.Ltmp6, $2  }
0x147: {  	_ =	sdelay $0x2  }
0x148: {  	s15 =	sadd.s32 $0xFFFFFFFF, s13;
	s16 =	sadd.s32 $0x10, s16;
	vm0 =	vge.f32 v9, v7  }
.LBB2_10:
0x149: {  	v9 =	vld [tilespmem:s16+$0x0];
	p1 =	sne.s32 s15, $0x1;
	s15 =	sadd.s32 $0xFFFFFFFF, s15;
	v10 =	vmpcnt.ones.xlane vm0  }
.Ltmp7:
0x14a: {  	(pc) =	sbr.rel @p1 .LBB2_10-.Ltmp7, $2  }
0x14b: {  	v8 =	vadd.s32 v8, v10;
	_ =	sdelay $0x2  }
0x14c: {  	s16 =	sadd.s32 $0x10, s16;
	vm0 =	vge.f32 v9, v7  }
.Ltmp8:
0x14d: {  	_ = 	snop;
	(pc) =	sbr.rel .LBB2_11-.Ltmp8, $1  }
0x14e: {  	_ =	sdelay $0x3  }
.LBB2_13:
0x14f: {  	(v2sf) =	vpush v4, $0x0;
	_ =	sdelay $0xe  }
0x150: {  	s13 =	spop (v2sf)  }
0x151: {  	s14 =	sadd.s32 $0xF, s13  }
0x152: {  	s15 =	sand.u32 $0xF, s14  }
0x153: {  	s31 =	sshra.s32 s14, $0x1F;
	p1 =	slt.s32 s14, $0x1;
	p0 =	sne.s32 s15, $0x0  }
0x154: {  	s15 =	sshrl.u32 s31, $0x1C;
	p0 =	por !p1, !p0  }
0x155: {  	s14 =	sadd.s32 s15, s14;
	s15 =	simm.s32 $0x1;
	p0 =	por !p0, !p0  }
.Ltmp9:
0x156: {  	s14 =	sshra.s32 s14, $0x4;
	s15 =	simm.s32 @!p0 $0x0;
	(pc) =	sbr.rel .LBB2_14-.Ltmp9, $4  }
0x157: {  	s14 =	ssub.s32 s14, s15  }
0x158: {  	[tilespmem:s13+$0x6080] =	vst v1;
	p1 =	sgt.s32 s14, $0x20  }
0x159: {  	[tilespmem:s13+$0x6090] =	vst v1;
	p0 =	slt.s32 s14, $0x21;
	s14 =	simm.s32 @!p1 $0x20  }
0x15a: {  	v4 =	vld [tilespmem:$0x6080];
	s13 =	sadd.s32 $0xFFFFFFE0, s14;
	s14 =	simm.s32 $0x0  }
.LBB2_17:
0x15b: {  	v6 =	vmpcnt.ones.xlane vm0;
	_ =	sdelay $0x1  }
0x15c: {  	v7 =	vadd.s32 v7, v6  }
.LBB2_18:
0x15d: {  	s14 =	sadd.s32 $0x1, s14  }
0x15e: {  	p1 =	sne.s32 s14, $0x15  }
.Ltmp10:
0x15f: {  	_ = 	snop;
	(pc) =	sbr.rel @!p1 .LBB2_19-.Ltmp10, $3  }
0x160: {  	_ =	sdelay $0x1  }
0x161: {  	vm0 =	vgt.s32 v7, $0xFF  }
0x162: {  	v3 =	vsel vm0, v5, v3  }
.LBB2_14:
0x163: {  	s15 =	ssub.s32 $0x14, s14  }
0x164: {  	v5 =	vshll.u32 v0, s15  }
0x165: {  	v5 =	vbroadcast v5, $0x0  }
0x166: {  	v7 =	vld [tilespmem:$0x6090]  }
0x167: {  	v8 =	vld [tilespmem:$0x60A0];
	v5 =	vadd.s32 v3, v5  }
0x168: {  	v9 =	vld [tilespmem:$0x60B0];
	v6 =	vshra.s32 v5, $0x1F  }
0x169: {  	v10 =	vld [tilespmem:$0x60C0];
	v6 =	vand.u32 $0x7FFFFFFF, v6  }
0x16a: {  	v11 =	vld [tilespmem:$0x60D0];
	v6 =	vxor.u32 v5, v6  }
0x16b: {  	vm0 =	vge.f32 v4, v6;
	vm1 =	vge.f32 v7, v6;
	v7 =	vld [tilespmem:$0x60E0]  }
0x16c: {  	vm10 =	vge.f32 v8, v6;
	v8 =	vld [tilespmem:$0x60F0];
	v12 =	vmpcnt.ones.xlane vm0;
	v13 =	vmpcnt.ones.xlane vm1  }
0x16d: {  	v23 =	vld [tilespmem:$0x6100];
	vm11 =	vge.f32 v9, v6;
	v14 =	vmpcnt.ones.xlane vm10  }
0x16e: {  	v25 =	vld [tilespmem:$0x6110];
	vm12 =	vge.f32 v10, v6;
	v24 =	vmpcnt.ones.xlane vm11;
	v12 =	vadd.s32 v12, v13  }
0x16f: {  	v27 =	vld [tilespmem:$0x6120];
	vm13 =	vge.f32 v11, v6;
	v26 =	vmpcnt.ones.xlane vm12;
	v12 =	vadd.s32 v14, v12  }
0x170: {  	v28 =	vmpcnt.ones.xlane vm13;
	v12 =	vadd.s32 v24, v12;
	vm14 =	vge.f32 v7, v6;
	v7 =	vld [tilespmem:$0x6130]  }
0x171: {  	vm15 =	vge.f32 v8, v6;
	v8 =	vld [tilespmem:$0x6140];
	v12 =	vadd.s32 v26, v12;
	v29 =	vmpcnt.ones.xlane vm14  }
0x172: {  	v31 =	vld [tilespmem:$0x6150];
	vm4 =	vge.f32 v23, v6;
	v30 =	vmpcnt.ones.xlane vm15;
	v12 =	vadd.s32 v28, v12  }
0x173: {  	v33 =	vld [tilespmem:$0x6160];
	vm5 =	vge.f32 v25, v6;
	v32 =	vmpcnt.ones.xlane vm4;
	v12 =	vadd.s32 v29, v12  }
0x174: {  	v35 =	vld [tilespmem:$0x6170];
	vm6 =	vge.f32 v27, v6;
	v34 =	vmpcnt.ones.xlane vm5;
	v12 =	vadd.s32 v30, v12  }
0x175: {  	v36 =	vmpcnt.ones.xlane vm6;
	v12 =	vadd.s32 v32, v12;
	vm7 =	vge.f32 v7, v6;
	v7 =	vld [tilespmem:$0x6180]  }
0x176: {  	vm8 =	vge.f32 v8, v6;
	v8 =	vld [tilespmem:$0x6190];
	v12 =	vadd.s32 v34, v12;
	v37 =	vmpcnt.ones.xlane vm7  }
0x177: {  	v39 =	vld [tilespmem:$0x61A0];
	vm9 =	vge.f32 v31, v6;
	v38 =	vmpcnt.ones.xlane vm8;
	v12 =	vadd.s32 v36, v12  }
0x178: {  	v41 =	vld [tilespmem:$0x61B0];
	v40 =	vmpcnt.ones.xlane vm9;
	vm10 =	vge.f32 v33, v6;
	v12 =	vadd.s32 v37, v12  }
0x179: {  	v43 =	vld [tilespmem:$0x61C0];
	vm11 =	vge.f32 v35, v6;
	v42 =	vmpcnt.ones.xlane vm10;
	v12 =	vadd.s32 v38, v12  }
0x17a: {  	v44 =	vmpcnt.ones.xlane vm11;
	v12 =	vadd.s32 v40, v12;
	vm12 =	vge.f32 v7, v6;
	v7 =	vld [tilespmem:$0x61D0]  }
0x17b: {  	vm13 =	vge.f32 v8, v6;
	v8 =	vld [tilespmem:$0x61E0];
	v12 =	vadd.s32 v42, v12;
	v45 =	vmpcnt.ones.xlane vm12  }
0x17c: {  	v47 =	vld [tilespmem:$0x61F0];
	vm14 =	vge.f32 v39, v6;
	v46 =	vmpcnt.ones.xlane vm13;
	v12 =	vadd.s32 v44, v12  }
0x17d: {  	v49 =	vld [tilespmem:$0x6200];
	vm15 =	vge.f32 v41, v6;
	v48 =	vmpcnt.ones.xlane vm14;
	v12 =	vadd.s32 v45, v12  }
0x17e: {  	v51 =	vld [tilespmem:$0x6210];
	vm4 =	vge.f32 v43, v6;
	v50 =	vmpcnt.ones.xlane vm15;
	v12 =	vadd.s32 v46, v12  }
0x17f: {  	v52 =	vmpcnt.ones.xlane vm4;
	v12 =	vadd.s32 v48, v12;
	vm5 =	vge.f32 v7, v6;
	v7 =	vld [tilespmem:$0x6220]  }
0x180: {  	vm6 =	vge.f32 v8, v6;
	v8 =	vld [tilespmem:$0x6230];
	v12 =	vadd.s32 v50, v12;
	v53 =	vmpcnt.ones.xlane vm5  }
0x181: {  	v55 =	vld [tilespmem:$0x6240];
	vm7 =	vge.f32 v47, v6;
	v54 =	vmpcnt.ones.xlane vm6;
	v12 =	vadd.s32 v52, v12  }
0x182: {  	v57 =	vld [tilespmem:$0x6250];
	vm8 =	vge.f32 v49, v6;
	v56 =	vmpcnt.ones.xlane vm7;
	v12 =	vadd.s32 v53, v12  }
0x183: {  	v59 =	vld [tilespmem:$0x6260];
	vm9 =	vge.f32 v51, v6;
	v58 =	vmpcnt.ones.xlane vm8;
	v12 =	vadd.s32 v54, v12  }
0x184: {  	v60 =	vmpcnt.ones.xlane vm9;
	v12 =	vadd.s32 v56, v12;
	vm10 =	vge.f32 v7, v6;
	v7 =	vld [tilespmem:$0x6270]  }
0x185: {  	vm11 =	vge.f32 v8, v6;
	v12 =	vadd.s32 v58, v12;
	v61 =	vmpcnt.ones.xlane vm10  }
0x186: {  	vm12 =	vge.f32 v55, v6;
	v62 =	vmpcnt.ones.xlane vm11;
	v8 =	vadd.s32 v60, v12  }
0x187: {  	vm13 =	vge.f32 v57, v6;
	v9 =	vmpcnt.ones.xlane vm12;
	v8 =	vadd.s32 v61, v8  }
.Ltmp11:
0x188: {  	vm14 =	vge.f32 v59, v6;
	v10 =	vmpcnt.ones.xlane vm13;
	v8 =	vadd.s32 v62, v8;
	(pc) =	sbr.rel @p0 .LBB2_18-.Ltmp11, $4  }
0x189: {  	v63 =	vmpcnt.ones.xlane vm14;
	v8 =	vadd.s32 v9, v8;
	vm15 =	vge.f32 v7, v6  }
0x18a: {  	v7 =	vadd.s32 v10, v8;
	v8 =	vmpcnt.ones.xlane vm15  }
0x18b: {  	v7 =	vadd.s32 v63, v7  }
0x18c: {  	s16 =	simm.s32 $0x6280;
	v7 =	vadd.s32 v8, v7  }
0x18d: {  	v8 =	vld [tilespmem:s16+$0x0];
	p1 =	sne.s32 s13, $0x1  }
.Ltmp12:
0x18e: {  	_ = 	snop;
	(pc) =	sbr.rel @!p1 .LBB2_17-.Ltmp12, $2  }
0x18f: {  	_ =	sdelay $0x2  }
0x190: {  	s15 =	sadd.s32 $0xFFFFFFFF, s13;
	s16 =	sadd.s32 $0x10, s16;
	vm0 =	vge.f32 v8, v6  }
.LBB2_16:
0x191: {  	v8 =	vld [tilespmem:s16+$0x0];
	p1 =	sne.s32 s15, $0x1;
	s15 =	sadd.s32 $0xFFFFFFFF, s15;
	v9 =	vmpcnt.ones.xlane vm0  }
.Ltmp13:
0x192: {  	(pc) =	sbr.rel @p1 .LBB2_16-.Ltmp13, $2  }
0x193: {  	v7 =	vadd.s32 v7, v9;
	_ =	sdelay $0x2  }
0x194: {  	s16 =	sadd.s32 $0x10, s16;
	vm0 =	vge.f32 v8, v6  }
.Ltmp14:
0x195: {  	_ = 	snop;
	(pc) =	sbr.rel .LBB2_17-.Ltmp14, $1  }
0x196: {  	_ =	sdelay $0x3  }
.LBB2_19:
0x197: {  	s13 =	simm.s32 $0x0  }
0x198: {  	v4 =	vld [tilespmem:s13+$0xF0]  }
0x199: {  	v5 =	vld [tilespmem:s13+$0x0]  }
0x19a: {  	v7 =	vshra.s32 v3, $0x1F;
	v6 =	vld [tilespmem:s13+$0x80]  }
0x19b: {  	v9 =	vshra.s32 v2, $0x1F;
	v8 =	vld [tilespmem:s13+$0x10];
	v7 =	vand.u32 $0x7FFFFFFF, v7  }
0x19c: {  	v10 =	vld [tilespmem:s13+$0x90];
	v9 =	vand.u32 $0x7FFFFFFF, v9;
	v3 =	vxor.u32 v3, v7  }
0x19d: {  	v7 =	vld [tilespmem:s13+$0x20];
	v2 =	vxor.u32 v2, v9;
	vm0 =	vge.f32 v4, v3  }
0x19e: {  	v9 =	vld [tilespmem:s13+$0xA0];
	vm1 =	vge.f32 v5, v2;
	v4 =	vnsel vm0, $0x0, v4  }
0x19f: {  	v11 =	vld [tilespmem:s13+$0x30];
	v5 =	vnsel vm1, $0x0, v5;
	vm0 =	vge.f32 v6, v3;
	[tilespmem:s13+$0x81F0] =	vst v4  }
0x1a0: {  	v12 =	vld [tilespmem:s13+$0xB0];
	[tilespmem:s13+$0x8100] =	vst v5;
	v4 =	vnsel vm0, $0x0, v6;
	vm0 =	vge.f32 v8, v2  }
0x1a1: {  	v13 =	vld [tilespmem:s13+$0x40];
	[tilespmem:s13+$0x8180] =	vst v4;
	v4 =	vnsel vm0, $0x0, v8;
	vm0 =	vge.f32 v10, v3  }
0x1a2: {  	[tilespmem:s13+$0x8110] =	vst v4;
	v5 =	vnsel vm0, $0x0, v10;
	v4 =	vld [tilespmem:s13+$0xC0];
	vm0 =	vge.f32 v7, v2  }
0x1a3: {  	[tilespmem:s13+$0x8190] =	vst v5;
	v6 =	vnsel vm0, $0x0, v7;
	v5 =	vld [tilespmem:s13+$0x50];
	vm0 =	vge.f32 v9, v3  }
0x1a4: {  	[tilespmem:s13+$0x8120] =	vst v6;
	v7 =	vnsel vm0, $0x0, v9;
	v6 =	vld [tilespmem:s13+$0xD0];
	vm0 =	vge.f32 v11, v2  }
0x1a5: {  	[tilespmem:s13+$0x81A0] =	vst v7;
	v8 =	vnsel vm0, $0x0, v11;
	v7 =	vld [tilespmem:s13+$0x60];
	vm0 =	vge.f32 v12, v3  }
0x1a6: {  	[tilespmem:s13+$0x8130] =	vst v8;
	v9 =	vnsel vm0, $0x0, v12;
	v8 =	vld [tilespmem:s13+$0xE0];
	vm0 =	vge.f32 v13, v2  }
0x1a7: {  	s14 =	simm.s32 $0x100;
	s15 =	simm.s32 $0x800;
	[tilespmem:s13+$0x81B0] =	vst v9;
	v10 =	vnsel vm0, $0x0, v13;
	vm0 =	vge.f32 v4, v3;
	v9 =	vld [tilespmem:s13+$0x70]  }
.LBB2_20:
0x1a8: {  	p0 =	sne.s32 s15, $0xFC00;
	v11 =	vld [tilespmem:s14+$0xF0];
	[tilespmem:s13+$0x8140] =	vst v10;
	v4 =	vnsel vm0, $0x0, v4;
	vm0 =	vge.f32 v5, v2  }
0x1a9: {  	v10 =	vld [tilespmem:s14+$0x0];
	[tilespmem:s13+$0x81C0] =	vst v4;
	v4 =	vnsel vm0, $0x0, v5;
	vm0 =	vge.f32 v6, v3  }
0x1aa: {  	v5 =	vld [tilespmem:s14+$0x80];
	[tilespmem:s13+$0x8150] =	vst v4;
	v4 =	vnsel vm0, $0x0, v6;
	vm0 =	vge.f32 v7, v2  }
0x1ab: {  	v6 =	vld [tilespmem:s14+$0x10];
	[tilespmem:s13+$0x81D0] =	vst v4;
	v4 =	vnsel vm0, $0x0, v7;
	vm0 =	vge.f32 v8, v3  }
0x1ac: {  	v7 =	vld [tilespmem:s14+$0x90];
	[tilespmem:s13+$0x8160] =	vst v4;
	v4 =	vnsel vm0, $0x0, v8;
	vm0 =	vge.f32 v9, v2  }
0x1ad: {  	v8 =	vld [tilespmem:s14+$0x20];
	vm1 =	vge.f32 v11, v3;
	[tilespmem:s13+$0x81E0] =	vst v4;
	v4 =	vnsel vm0, $0x0, v9  }
0x1ae: {  	vm0 =	vge.f32 v10, v2;
	v9 =	vld [tilespmem:s14+$0xA0];
	v11 =	vnsel vm1, $0x0, v11;
	[tilespmem:s13+$0x8170] =	vst v4;
	s13 =	smov.u32 s14  }
0x1af: {  	v4 =	vnsel vm0, $0x0, v10;
	vm0 =	vge.f32 v5, v3;
	v10 =	vld [tilespmem:s13+$0x30];
	[tilespmem:s13+$0x81F0] =	vst v11  }
0x1b0: {  	[tilespmem:s13+$0x8100] =	vst v4;
	v4 =	vnsel vm0, $0x0, v5;
	vm0 =	vge.f32 v6, v2;
	v11 =	vld [tilespmem:s13+$0xB0]  }
0x1b1: {  	[tilespmem:s13+$0x8180] =	vst v4;
	v4 =	vnsel vm0, $0x0, v6;
	vm0 =	vge.f32 v7, v3;
	v12 =	vld [tilespmem:s13+$0x40]  }
0x1b2: {  	[tilespmem:s13+$0x8110] =	vst v4;
	v5 =	vnsel vm0, $0x0, v7;
	vm0 =	vge.f32 v8, v2;
	v4 =	vld [tilespmem:s13+$0xC0]  }
.Ltmp15:
0x1b3: {  	[tilespmem:s13+$0x8190] =	vst v5;
	v6 =	vnsel vm0, $0x0, v8;
	vm0 =	vge.f32 v9, v3;
	v5 =	vld [tilespmem:s13+$0x50];
	(pc) =	sbr.rel @p0 .LBB2_20-.Ltmp15, $4  }
0x1b4: {  	[tilespmem:s13+$0x8120] =	vst v6;
	v7 =	vnsel vm0, $0x0, v9;
	vm0 =	vge.f32 v10, v2;
	v6 =	vld [tilespmem:s13+$0xD0]  }
0x1b5: {  	[tilespmem:s13+$0x81A0] =	vst v7;
	v8 =	vnsel vm0, $0x0, v10;
	vm0 =	vge.f32 v11, v3;
	v7 =	vld [tilespmem:s13+$0x60]  }
0x1b6: {  	[tilespmem:s13+$0x8130] =	vst v8;
	v9 =	vnsel vm0, $0x0, v11;
	vm0 =	vge.f32 v12, v2;
	v8 =	vld [tilespmem:s13+$0xE0]  }
0x1b7: {  	s14 =	sshra.s32 s15, $0x2;
	s15 =	sadd.s32 $0x400, s15;
	[tilespmem:s13+$0x81B0] =	vst v9;
	v10 =	vnsel vm0, $0x0, v12;
	vm0 =	vge.f32 v4, v3;
	v9 =	vld [tilespmem:s13+$0x70]  }
0x1b8: {  	v11 =	vld [tilespmem:s14+$0xF0];
	[tilespmem:s13+$0x8140] =	vst v10;
	v4 =	vnsel vm0, $0x0, v4;
	vm8 =	vge.f32 v5, v2  }
0x1b9: {  	v10 =	vld [tilespmem:s14+$0x0];
	[tilespmem:s13+$0x81C0] =	vst v4;
	v32 =	vnsel vm8, $0x0, v5;
	vm9 =	vge.f32 v6, v3  }
0x1ba: {  	v33 =	vld [tilespmem:s14+$0x80];
	[tilespmem:s13+$0x8150] =	vst v32;
	v34 =	vnsel vm9, $0x0, v6;
	vm10 =	vge.f32 v7, v2  }
0x1bb: {  	v35 =	vld [tilespmem:s14+$0x10];
	[tilespmem:s13+$0x81D0] =	vst v34;
	v36 =	vnsel vm10, $0x0, v7;
	vm11 =	vge.f32 v8, v3  }
0x1bc: {  	v37 =	vld [tilespmem:s14+$0x90];
	[tilespmem:s13+$0x8160] =	vst v36;
	v38 =	vnsel vm11, $0x0, v8;
	vm12 =	vge.f32 v9, v2  }
0x1bd: {  	v39 =	vld [tilespmem:s14+$0x20];
	[tilespmem:s13+$0x81E0] =	vst v38;
	v40 =	vnsel vm12, $0x0, v9;
	vm13 =	vge.f32 v11, v3  }
0x1be: {  	v41 =	vld [tilespmem:s14+$0xA0];
	[tilespmem:s13+$0x8170] =	vst v40;
	vm1 =	vge.f32 v10, v2;
	v42 =	vnsel vm13, $0x0, v11  }
0x1bf: {  	v43 =	vld [tilespmem:s14+$0x30];
	v10 =	vnsel vm1, $0x0, v10;
	[tilespmem:s14+$0x81F0] =	vst v42;
	vm14 =	vge.f32 v33, v3  }
0x1c0: {  	v45 =	vld [tilespmem:s14+$0xB0];
	[tilespmem:s14+$0x8100] =	vst v10;
	v44 =	vnsel vm14, $0x0, v33;
	vm15 =	vge.f32 v35, v2  }
0x1c1: {  	v47 =	vld [tilespmem:s14+$0x40];
	[tilespmem:s14+$0x8180] =	vst v44;
	v46 =	vnsel vm15, $0x0, v35;
	vm4 =	vge.f32 v37, v3  }
0x1c2: {  	v49 =	vld [tilespmem:s14+$0xC0];
	[tilespmem:s14+$0x8110] =	vst v46;
	v48 =	vnsel vm4, $0x0, v37;
	vm5 =	vge.f32 v39, v2  }
0x1c3: {  	v51 =	vld [tilespmem:s14+$0x50];
	[tilespmem:s14+$0x8190] =	vst v48;
	v50 =	vnsel vm5, $0x0, v39;
	vm6 =	vge.f32 v41, v3  }
0x1c4: {  	v53 =	vld [tilespmem:s14+$0xD0];
	[tilespmem:s14+$0x8120] =	vst v50;
	v52 =	vnsel vm6, $0x0, v41;
	vm7 =	vge.f32 v43, v2  }
0x1c5: {  	v55 =	vld [tilespmem:s14+$0x60];
	vm8 =	vge.f32 v45, v3;
	[tilespmem:s14+$0x81A0] =	vst v52;
	v54 =	vnsel vm7, $0x0, v43  }
0x1c6: {  	v57 =	vld [tilespmem:s14+$0xE0];
	vm9 =	vge.f32 v47, v2;
	v56 =	vnsel vm8, $0x0, v45;
	[tilespmem:s14+$0x8130] =	vst v54  }
0x1c7: {  	v59 =	vld [tilespmem:s14+$0x70];
	vm10 =	vge.f32 v49, v3;
	v58 =	vnsel vm9, $0x0, v47;
	[tilespmem:s14+$0x81B0] =	vst v56  }
0x1c8: {  	vm11 =	vge.f32 v51, v2;
	v60 =	vnsel vm10, $0x0, v49;
	[tilespmem:s14+$0x8140] =	vst v58  }
0x1c9: {  	vm12 =	vge.f32 v53, v3;
	v61 =	vnsel vm11, $0x0, v51;
	[tilespmem:s14+$0x81C0] =	vst v60  }
0x1ca: {  	vm13 =	vge.f32 v55, v2;
	v62 =	vnsel vm12, $0x0, v53;
	[tilespmem:s14+$0x8150] =	vst v61  }
0x1cb: {  	vm14 =	vge.f32 v57, v3;
	v63 =	vnsel vm13, $0x0, v55;
	[tilespmem:s14+$0x81D0] =	vst v62  }
0x1cc: {  	s12 =	sadd.s32 $0x1, s12;
	vm15 =	vge.f32 v59, v2;
	v3 =	vnsel vm14, $0x0, v57;
	[tilespmem:s14+$0x8160] =	vst v63  }
0x1cd: {  	p0 =	sne.s32 s12, s5;
	v2 =	vnsel vm15, $0x0, v59;
	[tilespmem:s14+$0x81E0] =	vst v3  }
.Ltmp16:
0x1ce: {  	[tilespmem:s14+$0x8170] =	vst v2;
	(pc) =	sbr.rel @p0 .LBB2_1-.Ltmp16, $4  }
0x1cf: {  	[hbm4b:s4+s6] =	stream.strided.scatter [tilespmem:s11], [sflag:$0x1], $0x4000, s7, s6, $0x38;
	[tilespmem:$0xC100] =	vst v63  }
0x1d0: {  	_ =	swait.ge [sflag:s8], $0x4000  }
0x1d1: {  	[sflag:s8] =	ssyncset.done $0x0  }
0x1d2: {  	[sflag:s8] =	ssyncadd.s32 $0xFFFFC000  }
0x1d3: {  	_ =	sfence.sel $0x180000  }
0x1d4: {  	[bflag:$0x0] =	sbarrier.arrive $0xFFFF  }
0x1d5: {  	p0 =	sne.s32 s1, $0x0;
	_ =	strace $0x90000047  }
0x1d6: {  	s0 =	sadd.s32 @!p0 $0x100000, s0;
	[bflag:$0x2] =	sbarrier.arrive $0xFFFF  }
0x1d7: {  	[sflag:s0] =	ssyncadd.tile.s32 @!p0 $0x1;
	_ =	shalt  }
.Lfunc_end2:
_tile_overlayer_lowered:
.L_overlay_start_2:
0x1d8: {  	(tag) =	ssettag $0x2  }
0x1d9: {  	s0 =	rddreg [dreg:$0x0];
	s2 =	stileid.u32  }
0x1da: {  	s1 =	rddreg [dreg:$0x1];
	p0 =	sne.s32 s2, $0x0  }
0x1db: {  	s3 =	rddreg [dreg:$0x2];
	[bflag:$0x3] =	sbarrier.arrive $0xFFFF;
	s2 =	simm.s32 @!p0 $0x1C01  }
0x1dc: {  	[timem:s3], [sflag:s2] =	dma.local @!p0 [hbm:s0], s1  }
0x1dd: {  	s0 =	simm.s32 @!p0 $0x1  }
0x1de: {  	_ =	swait.ge @!p0 [sflag:s0], s1  }
0x1df: {  	s1 =	ssub.s32 @!p0 $0x0, s1;
	[sflag:s0] =	ssyncset.done @!p0 $0x0  }
0x1e0: {  	[sflag:s0] =	ssyncadd.s32 @!p0 s1  }
0x1e1: {  	[bflag:$0x3] =	sbarrier.arrive $0xFFFF  }
0x1e2: {  	_ =	shalt  }

</sc_bundles>
